<compile_context>
chip_gen: v7x
topology: tpu7x:2x2x1
jax: 0.10.2.dev20260603
libtpu: 0.0.44.dev20260713+nightly
codegen_flags: <defaults>
</compile_context>

<pallas_src>
import functools

import jax
import jax.numpy as jnp
from jax import lax
from jax.experimental import pallas as pl
from jax.experimental.pallas import tpu as pltpu
from jax.experimental.pallas import tpu_sc as plsc


def _pack_body(w_ref, x_ref, b_ref, pk_ref):
    r = lax.dot_general(
        w_ref[...], x_ref[...],
        dimension_numbers=(((1,), (1,)), ((), ())),
        preferred_element_type=jnp.float32,
    )
    u0 = lax.bitcast_convert_type(r[0] + b_ref[0, 0], jnp.uint32)
    u1 = lax.bitcast_convert_type(r[1], jnp.uint32)
    half = jnp.uint32(0x8000)
    pk = ((u0 + half) & jnp.uint32(0xFFFF0000)) | ((u1 + half) >> 16)
    pk_ref[...] = lax.bitcast_convert_type(pk, jnp.int32)


def kernel(x, edge_index, edge_weight, W, b):
    n, d = x.shape
    e = edge_index.shape[1]

    wt = W.reshape(2, d)
    bias = b.astype(jnp.float32).reshape(1, 1)
    ei = edge_index.astype(jnp.int32)
    ew = edge_weight.astype(jnp.float32)

    n_pad = n

    pk = pl.pallas_call(
        _pack_body,
        out_shape=jax.ShapeDtypeStruct((n_pad,), jnp.int32),
    )(wt, x, bias)

    info = plsc.get_sparse_core_info()
    nc, ns, lanes = info.num_cores, info.num_subcores, info.num_lanes
    nw = nc * ns
    blk = 128
    nblk = e // blk
    nb_lo = nblk // nw
    n_hi = nblk - nb_lo * nw
    l_hi = (nb_lo + 1) * blk

    @functools.partial(
        pl.kernel,
        mesh=plsc.VectorSubcoreMesh(core_axis_name="c", subcore_axis_name="s"),
        out_type=jax.ShapeDtypeStruct((e,), jnp.float32),
        compiler_params=pltpu.CompilerParams(needs_layout_passes=False,
                                             use_tc_tiling_on_sc=True),
        scratch_types=[
            pltpu.VMEM((n_pad,), jnp.int32),
            pltpu.VMEM((2, l_hi), jnp.int32),
            pltpu.VMEM((l_hi,), jnp.float32),
            pltpu.VMEM((l_hi,), jnp.float32),
            pltpu.SemaphoreType.DMA,
            pltpu.SemaphoreType.DMA,
        ],
    )
    def edge_scores(pk_hbm, ei_hbm, ew_hbm, out_hbm,
                    pk_v, ei_v, ew_v, out_v, sem, sem_out):
        cid = lax.axis_index("c")
        sid = lax.axis_index("s")
        wid = sid * nc + cid

        hi_mask = jnp.int32(-65536)

        def compute(lo, hi):
            @plsc.parallel_loop(lo, hi, step=lanes, unroll=8)
            def body(off):
                s = ei_v[0, pl.ds(off, lanes)]
                t = ei_v[1, pl.ds(off, lanes)]
                g1 = plsc.load_gather(pk_v, [s])
                g2 = plsc.load_gather(pk_v, [t])
                p1 = plsc.bitcast(g1 & hi_mask, jnp.float32)
                p2 = plsc.bitcast(g2 << 16, jnp.float32)
                z = p1 + p2
                sig = 1.0 / (1.0 + jnp.exp(-z))
                out_v[pl.ds(off, lanes)] = ew_v[pl.ds(off, lanes)] * sig

        l_lo = nb_lo * blk
        la = (nb_lo // 2) * blk
        lb = l_lo - la
        c0 = pl.multiple_of(wid * l_lo, blk)
        copies_a = [
            pltpu.async_copy(pk_hbm, pk_v, sem),
            pltpu.async_copy(ei_hbm.at[:, pl.ds(c0, la)],
                             ei_v.at[:, pl.ds(0, la)], sem),
            pltpu.async_copy(ew_hbm.at[pl.ds(c0, la)],
                             ew_v.at[pl.ds(0, la)], sem),
        ]
        copies_b = [
            pltpu.async_copy(ei_hbm.at[:, pl.ds(c0 + la, lb)],
                             ei_v.at[:, pl.ds(la, lb)], sem),
            pltpu.async_copy(ew_hbm.at[pl.ds(c0 + la, lb)],
                             ew_v.at[pl.ds(la, lb)], sem),
        ]

        tail0 = nw * l_lo

        ct = pl.multiple_of(tail0 + wid * blk, blk)

        @pl.when(wid < n_hi)
        def _():
            pltpu.async_copy(ei_hbm.at[:, pl.ds(ct, blk)],
                             ei_v.at[:, pl.ds(l_lo, blk)], sem)
            pltpu.async_copy(ew_hbm.at[pl.ds(ct, blk)],
                             ew_v.at[pl.ds(l_lo, blk)], sem)

        for c in copies_a:
            c.wait()
        compute(0, la)
        out_a = pltpu.async_copy(out_v.at[pl.ds(0, la)],
                                 out_hbm.at[pl.ds(c0, la)], sem_out)
        for c in copies_b:
            c.wait()
        compute(la, l_lo)
        out_main = pltpu.async_copy(out_v.at[pl.ds(la, lb)],
                                    out_hbm.at[pl.ds(c0 + la, lb)], sem_out)

        @pl.when(wid < n_hi)
        def _():
            pltpu.make_async_copy(ei_hbm.at[:, pl.ds(ct, blk)],
                                  ei_v.at[:, pl.ds(l_lo, blk)], sem).wait()
            pltpu.make_async_copy(ew_hbm.at[pl.ds(ct, blk)],
                                  ew_v.at[pl.ds(l_lo, blk)], sem).wait()
            compute(l_lo, l_lo + blk)
            pltpu.async_copy(out_v.at[pl.ds(l_lo, blk)],
                             out_hbm.at[pl.ds(ct, blk)], sem_out).wait()

        out_a.wait()
        out_main.wait()

    return edge_scores(pk, ei, ew)

# --- scband reference (transcript-rebuilt; emitter-appended) ---
"""Pipeline reference for scband-edge-prompt-20392504721412 (READ-ONLY COPY).

The authoritative reference and input builder live on the scoring server;
editing this copy changes nothing except your own understanding.
"""

import jax, jax.numpy as jnp
import numpy as np

N_NODES = 10000
N_EDGES = 320000
D = 128

def setup_inputs(seed: int = 0) -> dict:
    key = jax.random.key(seed)
    k1, k2, k3, k4, k5 = jax.random.split(key, 5)
    x = jax.random.normal(k1, (N_NODES, D), dtype=jnp.float32)
    edge_index = jax.random.randint(k2, (2, N_EDGES), 0, N_NODES, dtype=jnp.int64)
    edge_weight = jax.random.uniform(k3, (N_EDGES,), dtype=jnp.float32)
    # Linear(in_dim*2, 1) parameters
    fan_in = 2 * D
    bound = 1.0 / np.sqrt(fan_in)
    W = jax.random.uniform(k4, (2 * D, 1), dtype=jnp.float32, minval=-bound, maxval=bound)
    b = jax.random.uniform(k5, (1,), dtype=jnp.float32, minval=-bound, maxval=bound)
    return {"x": x, "edge_index": edge_index, "edge_weight": edge_weight, "W": W, "b": b}

def reference(x, edge_index, edge_weight, W, b):
    src = edge_index[0]
    dst = edge_index[1]
    # gather node features per edge (SparseCore gather)
    edge_feats = jnp.concatenate([jnp.take(x, src, axis=0), jnp.take(x, dst, axis=0)], axis=-1)
    prompt_scores = jax.nn.sigmoid(edge_feats @ W + b).squeeze(-1)
    return edge_weight * prompt_scores

if __name__ == "__main__":
    import jax
    _d = setup_inputs()
    print(jax.jit(kernel)(*tuple(_d.values())))

</pallas_src>

<mosaic_0001>
#map = affine_map<(d0, d1) -> (0)>
#map1 = affine_map<(d0, d1) -> (0, 0)>
module attributes {stable_mosaic.version = 14 : i64} {
  func.func @edge_scores(%arg0: i32, %arg1: i32, %arg2: memref<10000xi32, #tpu.memory_space<hbm>>, %arg3: memref<2x320000xi32, #tpu.memory_space<hbm>>, %arg4: memref<320000xf32, #tpu.memory_space<hbm>>, %arg5: memref<320000xf32, #tpu.memory_space<hbm>>, %arg6: memref<10000xi32, #tpu.memory_space<vmem>>, %arg7: memref<2x10112xi32, #tpu.memory_space<vmem>>, %arg8: memref<10112xf32, #tpu.memory_space<vmem>>, %arg9: memref<10112xf32, #tpu.memory_space<vmem>>, %arg10: memref<!tpu.dma_semaphore, #tpu.memory_space<semaphore_mem>>, %arg11: memref<!tpu.dma_semaphore, #tpu.memory_space<semaphore_mem>>) attributes {dimension_semantics = [#tpu.dimension_semantics<core_parallel>, #tpu.dimension_semantics<subcore_parallel>], iteration_bounds = array<i64: 2, 16>, scalar_prefetch = 0 : i64, scratch_operands = 6 : i64, tpu.core_type = #tpu.core_type<sc_vector_subcore>, window_params = [{transform_indices = #map}, {transform_indices = #map1}, {transform_indices = #map}, {transform_indices = #map}]} {
    %mul3A = arith.constant 2 : i32
    %mul3A_0 = arith.muli %arg1, %mul3A : i32
    %add3A = arith.addi %mul3A_0, %arg0 : i32
    %mul3A_1 = arith.constant 9984 : i32
    %mul3A_2 = arith.muli %add3A, %mul3A_1 : i32
    %multiple_of3A = tpu.assume_multiple %mul3A_2, 128 : i32
    tpu.enqueue_dma source(%arg2 : memref<10000xi32, #tpu.memory_space<hbm>>) target(%arg6 : memref<10000xi32, #tpu.memory_space<vmem>>) target_semaphore(%arg10 : memref<!tpu.dma_semaphore, #tpu.memory_space<semaphore_mem>>)
    %dma_start3A = arith.constant 0 : i32
    %dma_start3A_3 = arith.constant 0 : i32
    %dma_start3A_4 = tpu.memref_slice %arg7[%dma_start3A, %dma_start3A_3] : memref<2x10112xi32, #tpu.memory_space<vmem>> -> memref<2x4992xi32, #tpu.memory_space<vmem>>
    %dma_start3A_5 = arith.constant 0 : i32
    %dma_start3A_6 = tpu.memref_slice %arg3[%dma_start3A_5, %multiple_of3A] : memref<2x320000xi32, #tpu.memory_space<hbm>> -> memref<2x4992xi32, #tpu.memory_space<hbm>>
    %dma_start3A_7 = arith.constant 0 : i32
    %dma_start3A_8 = arith.constant 0 : i32
    %dma_start3A_9 = tpu.memref_slice %arg7[%dma_start3A_7, %dma_start3A_8] : memref<2x10112xi32, #tpu.memory_space<vmem>> -> memref<2x4992xi32, #tpu.memory_space<vmem>>
    %dma_start3A_10 = arith.constant 0 : i32
    %dma_start3A_11 = tpu.memref_slice %arg3[%dma_start3A_10, %multiple_of3A] : memref<2x320000xi32, #tpu.memory_space<hbm>> -> memref<2x4992xi32, #tpu.memory_space<hbm>>
    tpu.enqueue_dma source(%dma_start3A_11 : memref<2x4992xi32, #tpu.memory_space<hbm>>) target(%dma_start3A_9 : memref<2x4992xi32, #tpu.memory_space<vmem>>) target_semaphore(%arg10 : memref<!tpu.dma_semaphore, #tpu.memory_space<semaphore_mem>>)
    %dma_start3A_12 = arith.constant 0 : i32
    %dma_start3A_13 = tpu.memref_slice %arg8[%dma_start3A_12] : memref<10112xf32, #tpu.memory_space<vmem>> -> memref<4992xf32, #tpu.memory_space<vmem>>
    %dma_start3A_14 = tpu.memref_slice %arg4[%multiple_of3A] : memref<320000xf32, #tpu.memory_space<hbm>> -> memref<4992xf32, #tpu.memory_space<hbm>>
    %dma_start3A_15 = arith.constant 0 : i32
    %dma_start3A_16 = tpu.memref_slice %arg8[%dma_start3A_15] : memref<10112xf32, #tpu.memory_space<vmem>> -> memref<4992xf32, #tpu.memory_space<vmem>>
    %dma_start3A_17 = tpu.memref_slice %arg4[%multiple_of3A] : memref<320000xf32, #tpu.memory_space<hbm>> -> memref<4992xf32, #tpu.memory_space<hbm>>
    tpu.enqueue_dma source(%dma_start3A_17 : memref<4992xf32, #tpu.memory_space<hbm>>) target(%dma_start3A_16 : memref<4992xf32, #tpu.memory_space<vmem>>) target_semaphore(%arg10 : memref<!tpu.dma_semaphore, #tpu.memory_space<semaphore_mem>>)
    %add3A_18 = arith.constant 4992 : i32
    %add3A_19 = arith.addi %multiple_of3A, %add3A_18 : i32
    %dma_start3A_20 = arith.constant 0 : i32
    %dma_start3A_21 = arith.constant 4992 : i32
    %dma_start3A_22 = tpu.memref_slice %arg7[%dma_start3A_20, %dma_start3A_21] : memref<2x10112xi32, #tpu.memory_space<vmem>> -> memref<2x4992xi32, #tpu.memory_space<vmem>>
    %dma_start3A_23 = arith.constant 0 : i32
    %dma_start3A_24 = tpu.memref_slice %arg3[%dma_start3A_23, %add3A_19] : memref<2x320000xi32, #tpu.memory_space<hbm>> -> memref<2x4992xi32, #tpu.memory_space<hbm>>
    %dma_start3A_25 = arith.constant 0 : i32
    %dma_start3A_26 = arith.constant 4992 : i32
    %dma_start3A_27 = tpu.memref_slice %arg7[%dma_start3A_25, %dma_start3A_26] : memref<2x10112xi32, #tpu.memory_space<vmem>> -> memref<2x4992xi32, #tpu.memory_space<vmem>>
    %dma_start3A_28 = arith.constant 0 : i32
    %dma_start3A_29 = tpu.memref_slice %arg3[%dma_start3A_28, %add3A_19] : memref<2x320000xi32, #tpu.memory_space<hbm>> -> memref<2x4992xi32, #tpu.memory_space<hbm>>
    tpu.enqueue_dma source(%dma_start3A_29 : memref<2x4992xi32, #tpu.memory_space<hbm>>) target(%dma_start3A_27 : memref<2x4992xi32, #tpu.memory_space<vmem>>) target_semaphore(%arg10 : memref<!tpu.dma_semaphore, #tpu.memory_space<semaphore_mem>>)
    %add3A_30 = arith.constant 4992 : i32
    %add3A_31 = arith.addi %multiple_of3A, %add3A_30 : i32
    %dma_start3A_32 = arith.constant 4992 : i32
    %dma_start3A_33 = tpu.memref_slice %arg8[%dma_start3A_32] : memref<10112xf32, #tpu.memory_space<vmem>> -> memref<4992xf32, #tpu.memory_space<vmem>>
    %dma_start3A_34 = tpu.memref_slice %arg4[%add3A_31] : memref<320000xf32, #tpu.memory_space<hbm>> -> memref<4992xf32, #tpu.memory_space<hbm>>
    %dma_start3A_35 = arith.constant 4992 : i32
    %dma_start3A_36 = tpu.memref_slice %arg8[%dma_start3A_35] : memref<10112xf32, #tpu.memory_space<vmem>> -> memref<4992xf32, #tpu.memory_space<vmem>>
    %dma_start3A_37 = tpu.memref_slice %arg4[%add3A_31] : memref<320000xf32, #tpu.memory_space<hbm>> -> memref<4992xf32, #tpu.memory_space<hbm>>
    tpu.enqueue_dma source(%dma_start3A_37 : memref<4992xf32, #tpu.memory_space<hbm>>) target(%dma_start3A_36 : memref<4992xf32, #tpu.memory_space<vmem>>) target_semaphore(%arg10 : memref<!tpu.dma_semaphore, #tpu.memory_space<semaphore_mem>>)
    %mul3A_38 = arith.constant 128 : i32
    %mul3A_39 = arith.muli %add3A, %mul3A_38 : i32
    %add3A_40 = arith.constant 319488 : i32
    %add3A_41 = arith.addi %add3A_40, %mul3A_39 : i32
    %multiple_of3A_42 = tpu.assume_multiple %add3A_41, 128 : i32
    %lt3A = arith.constant 4 : i32
    %lt3A_43 = arith.cmpi slt, %add3A, %lt3A : i32
    %convert_element_type3A = arith.extui %lt3A_43 : i1 to i32
    %cond3A = arith.constant 0 : i32
    %cond3A_44 = arith.cmpi ne, %convert_element_type3A, %cond3A : i32
    scf.if %cond3A_44 {
      %dma_start3A_115 = arith.constant 0 : i32
      %dma_start3A_116 = arith.constant 9984 : i32
      %dma_start3A_117 = tpu.memref_slice %arg7[%dma_start3A_115, %dma_start3A_116] : memref<2x10112xi32, #tpu.memory_space<vmem>> -> memref<2x128xi32, #tpu.memory_space<vmem>>
      %dma_start3A_118 = arith.constant 0 : i32
      %dma_start3A_119 = tpu.memref_slice %arg3[%dma_start3A_118, %multiple_of3A_42] : memref<2x320000xi32, #tpu.memory_space<hbm>> -> memref<2x128xi32, #tpu.memory_space<hbm>>
      %dma_start3A_120 = arith.constant 0 : i32
      %dma_start3A_121 = arith.constant 9984 : i32
      %dma_start3A_122 = tpu.memref_slice %arg7[%dma_start3A_120, %dma_start3A_121] : memref<2x10112xi32, #tpu.memory_space<vmem>> -> memref<2x128xi32, #tpu.memory_space<vmem>>
      %dma_start3A_123 = arith.constant 0 : i32
      %dma_start3A_124 = tpu.memref_slice %arg3[%dma_start3A_123, %multiple_of3A_42] : memref<2x320000xi32, #tpu.memory_space<hbm>> -> memref<2x128xi32, #tpu.memory_space<hbm>>
      tpu.enqueue_dma source(%dma_start3A_124 : memref<2x128xi32, #tpu.memory_space<hbm>>) target(%dma_start3A_122 : memref<2x128xi32, #tpu.memory_space<vmem>>) target_semaphore(%arg10 : memref<!tpu.dma_semaphore, #tpu.memory_space<semaphore_mem>>)
      %dma_start3A_125 = arith.constant 9984 : i32
      %dma_start3A_126 = tpu.memref_slice %arg8[%dma_start3A_125] : memref<10112xf32, #tpu.memory_space<vmem>> -> memref<128xf32, #tpu.memory_space<vmem>>
      %dma_start3A_127 = tpu.memref_slice %arg4[%multiple_of3A_42] : memref<320000xf32, #tpu.memory_space<hbm>> -> memref<128xf32, #tpu.memory_space<hbm>>
      %dma_start3A_128 = arith.constant 9984 : i32
      %dma_start3A_129 = tpu.memref_slice %arg8[%dma_start3A_128] : memref<10112xf32, #tpu.memory_space<vmem>> -> memref<128xf32, #tpu.memory_space<vmem>>
      %dma_start3A_130 = tpu.memref_slice %arg4[%multiple_of3A_42] : memref<320000xf32, #tpu.memory_space<hbm>> -> memref<128xf32, #tpu.memory_space<hbm>>
      tpu.enqueue_dma source(%dma_start3A_130 : memref<128xf32, #tpu.memory_space<hbm>>) target(%dma_start3A_129 : memref<128xf32, #tpu.memory_space<vmem>>) target_semaphore(%arg10 : memref<!tpu.dma_semaphore, #tpu.memory_space<semaphore_mem>>)
    } else {
    }
    tpu.wait_dma2 semaphore(%arg10 : memref<!tpu.dma_semaphore, #tpu.memory_space<semaphore_mem>>) src(%arg2 : memref<10000xi32, #tpu.memory_space<hbm>>) dst(%arg6 : memref<10000xi32, #tpu.memory_space<vmem>>)
    %dma_wait3A = arith.constant 0 : i32
    %dma_wait3A_45 = arith.constant 0 : i32
    %dma_wait3A_46 = tpu.memref_slice %arg7[%dma_wait3A, %dma_wait3A_45] : memref<2x10112xi32, #tpu.memory_space<vmem>> -> memref<2x4992xi32, #tpu.memory_space<vmem>>
    %dma_wait3A_47 = arith.constant 0 : i32
    %dma_wait3A_48 = tpu.memref_slice %arg3[%dma_wait3A_47, %multiple_of3A] : memref<2x320000xi32, #tpu.memory_space<hbm>> -> memref<2x4992xi32, #tpu.memory_space<hbm>>
    %dma_wait3A_49 = arith.constant 0 : i32
    %dma_wait3A_50 = arith.constant 0 : i32
    %dma_wait3A_51 = tpu.memref_slice %arg7[%dma_wait3A_49, %dma_wait3A_50] : memref<2x10112xi32, #tpu.memory_space<vmem>> -> memref<2x4992xi32, #tpu.memory_space<vmem>>
    %dma_wait3A_52 = arith.constant 0 : i32
    %dma_wait3A_53 = tpu.memref_slice %arg3[%dma_wait3A_52, %multiple_of3A] : memref<2x320000xi32, #tpu.memory_space<hbm>> -> memref<2x4992xi32, #tpu.memory_space<hbm>>
    tpu.wait_dma2 semaphore(%arg10 : memref<!tpu.dma_semaphore, #tpu.memory_space<semaphore_mem>>) src(%dma_wait3A_53 : memref<2x4992xi32, #tpu.memory_space<hbm>>) dst(%dma_wait3A_51 : memref<2x4992xi32, #tpu.memory_space<vmem>>)
    %dma_wait3A_54 = arith.constant 0 : i32
    %dma_wait3A_55 = tpu.memref_slice %arg8[%dma_wait3A_54] : memref<10112xf32, #tpu.memory_space<vmem>> -> memref<4992xf32, #tpu.memory_space<vmem>>
    %dma_wait3A_56 = tpu.memref_slice %arg4[%multiple_of3A] : memref<320000xf32, #tpu.memory_space<hbm>> -> memref<4992xf32, #tpu.memory_space<hbm>>
    %dma_wait3A_57 = arith.constant 0 : i32
    %dma_wait3A_58 = tpu.memref_slice %arg8[%dma_wait3A_57] : memref<10112xf32, #tpu.memory_space<vmem>> -> memref<4992xf32, #tpu.memory_space<vmem>>
    %dma_wait3A_59 = tpu.memref_slice %arg4[%multiple_of3A] : memref<320000xf32, #tpu.memory_space<hbm>> -> memref<4992xf32, #tpu.memory_space<hbm>>
    tpu.wait_dma2 semaphore(%arg10 : memref<!tpu.dma_semaphore, #tpu.memory_space<semaphore_mem>>) src(%dma_wait3A_59 : memref<4992xf32, #tpu.memory_space<hbm>>) dst(%dma_wait3A_58 : memref<4992xf32, #tpu.memory_space<vmem>>)
    %parallel_loop3A = arith.constant 0 : i32
    %parallel_loop3A_60 = arith.constant 4992 : i32
    %parallel_loop3A_61 = arith.constant 16 : i32
    %parallel_loop3A_62 = arith.constant -65536 : i32
    scf.for %parallel_loop3A_115 = %parallel_loop3A to %parallel_loop3A_60 step %parallel_loop3A_61  : i32 {
      %parallel_loop3A_116 = arith.constant 0 : i32
      %parallel_loop3A_117 = arith.index_cast %parallel_loop3A_116 : i32 to index
      %parallel_loop3A_118 = arith.index_cast %parallel_loop3A_115 : i32 to index
      %parallel_loop3A_119 = tpu.vector_load %arg7[%parallel_loop3A_117, %parallel_loop3A_118] {strides = array<i32>} : memref<2x10112xi32, #tpu.memory_space<vmem>>, vector<16xi32>,
      %parallel_loop3A_120 = arith.constant 1 : i32
      %parallel_loop3A_121 = arith.index_cast %parallel_loop3A_120 : i32 to index
      %parallel_loop3A_122 = arith.index_cast %parallel_loop3A_115 : i32 to index
      %parallel_loop3A_123 = tpu.vector_load %arg7[%parallel_loop3A_121, %parallel_loop3A_122] {strides = array<i32>} : memref<2x10112xi32, #tpu.memory_space<vmem>>, vector<16xi32>,
      %parallel_loop3A_124 = tpu.vector_load_idx %arg6[%parallel_loop3A_119] : memref<10000xi32, #tpu.memory_space<vmem>>[vector<16xi32>], vector<16xi32>,
      %parallel_loop3A_125 = tpu.vector_load_idx %arg6[%parallel_loop3A_123] : memref<10000xi32, #tpu.memory_space<vmem>>[vector<16xi32>], vector<16xi32>,
      %parallel_loop3A_126 = vector.broadcast %parallel_loop3A_62 : i32 to vector<16xi32>
      %parallel_loop3A_127 = arith.andi %parallel_loop3A_124, %parallel_loop3A_126 : vector<16xi32>
      %parallel_loop3A_128 = vector.bitcast %parallel_loop3A_127 : vector<16xi32> to vector<16xf32>
      %parallel_loop3A_129 = arith.constant 16 : i32
      %parallel_loop3A_130 = vector.broadcast %parallel_loop3A_129 : i32 to vector<16xi32>
      %parallel_loop3A_131 = arith.shli %parallel_loop3A_125, %parallel_loop3A_130 : vector<16xi32>
      %parallel_loop3A_132 = vector.bitcast %parallel_loop3A_131 : vector<16xi32> to vector<16xf32>
      %parallel_loop3A_133 = arith.addf %parallel_loop3A_128, %parallel_loop3A_132 : vector<16xf32>
      %parallel_loop3A_134 = arith.constant 0.000000e+00 : f32
      %parallel_loop3A_135 = vector.broadcast %parallel_loop3A_134 : f32 to vector<16xf32>
      %parallel_loop3A_136 = arith.subf %parallel_loop3A_135, %parallel_loop3A_133 : vector<16xf32>
      %parallel_loop3A_137 = math.exp %parallel_loop3A_136 : vector<16xf32>
      %parallel_loop3A_138 = arith.constant 1.000000e+00 : f32
      %parallel_loop3A_139 = vector.broadcast %parallel_loop3A_138 : f32 to vector<16xf32>
      %parallel_loop3A_140 = arith.addf %parallel_loop3A_139, %parallel_loop3A_137 : vector<16xf32>
      %parallel_loop3A_141 = arith.constant 1.000000e+00 : f32
      %parallel_loop3A_142 = vector.broadcast %parallel_loop3A_141 : f32 to vector<16xf32>
      %parallel_loop3A_143 = arith.divf %parallel_loop3A_142, %parallel_loop3A_140 : vector<16xf32>
      %parallel_loop3A_144 = arith.index_cast %parallel_loop3A_115 : i32 to index
      %parallel_loop3A_145 = tpu.vector_load %arg8[%parallel_loop3A_144] {strides = array<i32>} : memref<10112xf32, #tpu.memory_space<vmem>>, vector<16xf32>,
      %parallel_loop3A_146 = arith.mulf %parallel_loop3A_145, %parallel_loop3A_143 : vector<16xf32>
      %parallel_loop3A_147 = arith.index_cast %parallel_loop3A_115 : i32 to index
      %parallel_loop3A_148 = tpu.vector_load %arg9[%parallel_loop3A_147] {strides = array<i32>} : memref<10112xf32, #tpu.memory_space<vmem>>, vector<16xf32>,
      tpu.vector_store %arg9[%parallel_loop3A_147], %parallel_loop3A_146 {strides = array<i32>} : memref<10112xf32, #tpu.memory_space<vmem>>, vector<16xf32>,
    } {sc.loop_unroll_factor = 8 : i64, sc.parallel_access}
    %dma_start3A_63 = arith.constant 0 : i32
    %dma_start3A_64 = tpu.memref_slice %arg9[%dma_start3A_63] : memref<10112xf32, #tpu.memory_space<vmem>> -> memref<4992xf32, #tpu.memory_space<vmem>>
    %dma_start3A_65 = tpu.memref_slice %arg5[%multiple_of3A] : memref<320000xf32, #tpu.memory_space<hbm>> -> memref<4992xf32, #tpu.memory_space<hbm>>
    %dma_start3A_66 = tpu.memref_slice %arg5[%multiple_of3A] : memref<320000xf32, #tpu.memory_space<hbm>> -> memref<4992xf32, #tpu.memory_space<hbm>>
    %dma_start3A_67 = arith.constant 0 : i32
    %dma_start3A_68 = tpu.memref_slice %arg9[%dma_start3A_67] : memref<10112xf32, #tpu.memory_space<vmem>> -> memref<4992xf32, #tpu.memory_space<vmem>>
    tpu.enqueue_dma source(%dma_start3A_68 : memref<4992xf32, #tpu.memory_space<vmem>>) target(%dma_start3A_66 : memref<4992xf32, #tpu.memory_space<hbm>>) target_semaphore(%arg11 : memref<!tpu.dma_semaphore, #tpu.memory_space<semaphore_mem>>)
    %dma_wait3A_69 = arith.constant 0 : i32
    %dma_wait3A_70 = arith.constant 4992 : i32
    %dma_wait3A_71 = tpu.memref_slice %arg7[%dma_wait3A_69, %dma_wait3A_70] : memref<2x10112xi32, #tpu.memory_space<vmem>> -> memref<2x4992xi32, #tpu.memory_space<vmem>>
    %dma_wait3A_72 = arith.constant 0 : i32
    %dma_wait3A_73 = tpu.memref_slice %arg3[%dma_wait3A_72, %add3A_19] : memref<2x320000xi32, #tpu.memory_space<hbm>> -> memref<2x4992xi32, #tpu.memory_space<hbm>>
    %dma_wait3A_74 = arith.constant 0 : i32
    %dma_wait3A_75 = arith.constant 4992 : i32
    %dma_wait3A_76 = tpu.memref_slice %arg7[%dma_wait3A_74, %dma_wait3A_75] : memref<2x10112xi32, #tpu.memory_space<vmem>> -> memref<2x4992xi32, #tpu.memory_space<vmem>>
    %dma_wait3A_77 = arith.constant 0 : i32
    %dma_wait3A_78 = tpu.memref_slice %arg3[%dma_wait3A_77, %add3A_19] : memref<2x320000xi32, #tpu.memory_space<hbm>> -> memref<2x4992xi32, #tpu.memory_space<hbm>>
    tpu.wait_dma2 semaphore(%arg10 : memref<!tpu.dma_semaphore, #tpu.memory_space<semaphore_mem>>) src(%dma_wait3A_78 : memref<2x4992xi32, #tpu.memory_space<hbm>>) dst(%dma_wait3A_76 : memref<2x4992xi32, #tpu.memory_space<vmem>>)
    %dma_wait3A_79 = arith.constant 4992 : i32
    %dma_wait3A_80 = tpu.memref_slice %arg8[%dma_wait3A_79] : memref<10112xf32, #tpu.memory_space<vmem>> -> memref<4992xf32, #tpu.memory_space<vmem>>
    %dma_wait3A_81 = tpu.memref_slice %arg4[%add3A_31] : memref<320000xf32, #tpu.memory_space<hbm>> -> memref<4992xf32, #tpu.memory_space<hbm>>
    %dma_wait3A_82 = arith.constant 4992 : i32
    %dma_wait3A_83 = tpu.memref_slice %arg8[%dma_wait3A_82] : memref<10112xf32, #tpu.memory_space<vmem>> -> memref<4992xf32, #tpu.memory_space<vmem>>
    %dma_wait3A_84 = tpu.memref_slice %arg4[%add3A_31] : memref<320000xf32, #tpu.memory_space<hbm>> -> memref<4992xf32, #tpu.memory_space<hbm>>
    tpu.wait_dma2 semaphore(%arg10 : memref<!tpu.dma_semaphore, #tpu.memory_space<semaphore_mem>>) src(%dma_wait3A_84 : memref<4992xf32, #tpu.memory_space<hbm>>) dst(%dma_wait3A_83 : memref<4992xf32, #tpu.memory_space<vmem>>)
    %parallel_loop3A_85 = arith.constant 4992 : i32
    %parallel_loop3A_86 = arith.constant 9984 : i32
    %parallel_loop3A_87 = arith.constant 16 : i32
    %parallel_loop3A_88 = arith.constant -65536 : i32
    scf.for %parallel_loop3A_115 = %parallel_loop3A_85 to %parallel_loop3A_86 step %parallel_loop3A_87  : i32 {
      %parallel_loop3A_116 = arith.constant 0 : i32
      %parallel_loop3A_117 = arith.index_cast %parallel_loop3A_116 : i32 to index
      %parallel_loop3A_118 = arith.index_cast %parallel_loop3A_115 : i32 to index
      %parallel_loop3A_119 = tpu.vector_load %arg7[%parallel_loop3A_117, %parallel_loop3A_118] {strides = array<i32>} : memref<2x10112xi32, #tpu.memory_space<vmem>>, vector<16xi32>,
      %parallel_loop3A_120 = arith.constant 1 : i32
      %parallel_loop3A_121 = arith.index_cast %parallel_loop3A_120 : i32 to index
      %parallel_loop3A_122 = arith.index_cast %parallel_loop3A_115 : i32 to index
      %parallel_loop3A_123 = tpu.vector_load %arg7[%parallel_loop3A_121, %parallel_loop3A_122] {strides = array<i32>} : memref<2x10112xi32, #tpu.memory_space<vmem>>, vector<16xi32>,
      %parallel_loop3A_124 = tpu.vector_load_idx %arg6[%parallel_loop3A_119] : memref<10000xi32, #tpu.memory_space<vmem>>[vector<16xi32>], vector<16xi32>,
      %parallel_loop3A_125 = tpu.vector_load_idx %arg6[%parallel_loop3A_123] : memref<10000xi32, #tpu.memory_space<vmem>>[vector<16xi32>], vector<16xi32>,
      %parallel_loop3A_126 = vector.broadcast %parallel_loop3A_88 : i32 to vector<16xi32>
      %parallel_loop3A_127 = arith.andi %parallel_loop3A_124, %parallel_loop3A_126 : vector<16xi32>
      %parallel_loop3A_128 = vector.bitcast %parallel_loop3A_127 : vector<16xi32> to vector<16xf32>
      %parallel_loop3A_129 = arith.constant 16 : i32
      %parallel_loop3A_130 = vector.broadcast %parallel_loop3A_129 : i32 to vector<16xi32>
      %parallel_loop3A_131 = arith.shli %parallel_loop3A_125, %parallel_loop3A_130 : vector<16xi32>
      %parallel_loop3A_132 = vector.bitcast %parallel_loop3A_131 : vector<16xi32> to vector<16xf32>
      %parallel_loop3A_133 = arith.addf %parallel_loop3A_128, %parallel_loop3A_132 : vector<16xf32>
      %parallel_loop3A_134 = arith.constant 0.000000e+00 : f32
      %parallel_loop3A_135 = vector.broadcast %parallel_loop3A_134 : f32 to vector<16xf32>
      %parallel_loop3A_136 = arith.subf %parallel_loop3A_135, %parallel_loop3A_133 : vector<16xf32>
      %parallel_loop3A_137 = math.exp %parallel_loop3A_136 : vector<16xf32>
      %parallel_loop3A_138 = arith.constant 1.000000e+00 : f32
      %parallel_loop3A_139 = vector.broadcast %parallel_loop3A_138 : f32 to vector<16xf32>
      %parallel_loop3A_140 = arith.addf %parallel_loop3A_139, %parallel_loop3A_137 : vector<16xf32>
      %parallel_loop3A_141 = arith.constant 1.000000e+00 : f32
      %parallel_loop3A_142 = vector.broadcast %parallel_loop3A_141 : f32 to vector<16xf32>
      %parallel_loop3A_143 = arith.divf %parallel_loop3A_142, %parallel_loop3A_140 : vector<16xf32>
      %parallel_loop3A_144 = arith.index_cast %parallel_loop3A_115 : i32 to index
      %parallel_loop3A_145 = tpu.vector_load %arg8[%parallel_loop3A_144] {strides = array<i32>} : memref<10112xf32, #tpu.memory_space<vmem>>, vector<16xf32>,
      %parallel_loop3A_146 = arith.mulf %parallel_loop3A_145, %parallel_loop3A_143 : vector<16xf32>
      %parallel_loop3A_147 = arith.index_cast %parallel_loop3A_115 : i32 to index
      %parallel_loop3A_148 = tpu.vector_load %arg9[%parallel_loop3A_147] {strides = array<i32>} : memref<10112xf32, #tpu.memory_space<vmem>>, vector<16xf32>,
      tpu.vector_store %arg9[%parallel_loop3A_147], %parallel_loop3A_146 {strides = array<i32>} : memref<10112xf32, #tpu.memory_space<vmem>>, vector<16xf32>,
    } {sc.loop_unroll_factor = 8 : i64, sc.parallel_access}
    %add3A_89 = arith.constant 4992 : i32
    %add3A_90 = arith.addi %multiple_of3A, %add3A_89 : i32
    %dma_start3A_91 = arith.constant 4992 : i32
    %dma_start3A_92 = tpu.memref_slice %arg9[%dma_start3A_91] : memref<10112xf32, #tpu.memory_space<vmem>> -> memref<4992xf32, #tpu.memory_space<vmem>>
    %dma_start3A_93 = tpu.memref_slice %arg5[%add3A_90] : memref<320000xf32, #tpu.memory_space<hbm>> -> memref<4992xf32, #tpu.memory_space<hbm>>
    %dma_start3A_94 = tpu.memref_slice %arg5[%add3A_90] : memref<320000xf32, #tpu.memory_space<hbm>> -> memref<4992xf32, #tpu.memory_space<hbm>>
    %dma_start3A_95 = arith.constant 4992 : i32
    %dma_start3A_96 = tpu.memref_slice %arg9[%dma_start3A_95] : memref<10112xf32, #tpu.memory_space<vmem>> -> memref<4992xf32, #tpu.memory_space<vmem>>
    tpu.enqueue_dma source(%dma_start3A_96 : memref<4992xf32, #tpu.memory_space<vmem>>) target(%dma_start3A_94 : memref<4992xf32, #tpu.memory_space<hbm>>) target_semaphore(%arg11 : memref<!tpu.dma_semaphore, #tpu.memory_space<semaphore_mem>>)
    %lt3A_97 = arith.constant 4 : i32
    %lt3A_98 = arith.cmpi slt, %add3A, %lt3A_97 : i32
    %convert_element_type3A_99 = arith.extui %lt3A_98 : i1 to i32
    %cond3A_100 = arith.constant -65536 : i32
    %cond3A_101 = arith.constant 0 : i32
    %cond3A_102 = arith.cmpi ne, %convert_element_type3A_99, %cond3A_101 : i32
    scf.if %cond3A_102 {
      %dma_wait3A_115 = arith.constant 0 : i32
      %dma_wait3A_116 = arith.constant 9984 : i32
      %dma_wait3A_117 = tpu.memref_slice %arg7[%dma_wait3A_115, %dma_wait3A_116] : memref<2x10112xi32, #tpu.memory_space<vmem>> -> memref<2x128xi32, #tpu.memory_space<vmem>>
      %dma_wait3A_118 = arith.constant 0 : i32
      %dma_wait3A_119 = tpu.memref_slice %arg3[%dma_wait3A_118, %multiple_of3A_42] : memref<2x320000xi32, #tpu.memory_space<hbm>> -> memref<2x128xi32, #tpu.memory_space<hbm>>
      %dma_wait3A_120 = arith.constant 0 : i32
      %dma_wait3A_121 = arith.constant 9984 : i32
      %dma_wait3A_122 = tpu.memref_slice %arg7[%dma_wait3A_120, %dma_wait3A_121] : memref<2x10112xi32, #tpu.memory_space<vmem>> -> memref<2x128xi32, #tpu.memory_space<vmem>>
      %dma_wait3A_123 = arith.constant 0 : i32
      %dma_wait3A_124 = tpu.memref_slice %arg3[%dma_wait3A_123, %multiple_of3A_42] : memref<2x320000xi32, #tpu.memory_space<hbm>> -> memref<2x128xi32, #tpu.memory_space<hbm>>
      tpu.wait_dma2 semaphore(%arg10 : memref<!tpu.dma_semaphore, #tpu.memory_space<semaphore_mem>>) src(%dma_wait3A_124 : memref<2x128xi32, #tpu.memory_space<hbm>>) dst(%dma_wait3A_122 : memref<2x128xi32, #tpu.memory_space<vmem>>)
      %dma_wait3A_125 = arith.constant 9984 : i32
      %dma_wait3A_126 = tpu.memref_slice %arg8[%dma_wait3A_125] : memref<10112xf32, #tpu.memory_space<vmem>> -> memref<128xf32, #tpu.memory_space<vmem>>
      %dma_wait3A_127 = tpu.memref_slice %arg4[%multiple_of3A_42] : memref<320000xf32, #tpu.memory_space<hbm>> -> memref<128xf32, #tpu.memory_space<hbm>>
      %dma_wait3A_128 = arith.constant 9984 : i32
      %dma_wait3A_129 = tpu.memref_slice %arg8[%dma_wait3A_128] : memref<10112xf32, #tpu.memory_space<vmem>> -> memref<128xf32, #tpu.memory_space<vmem>>
      %dma_wait3A_130 = tpu.memref_slice %arg4[%multiple_of3A_42] : memref<320000xf32, #tpu.memory_space<hbm>> -> memref<128xf32, #tpu.memory_space<hbm>>
      tpu.wait_dma2 semaphore(%arg10 : memref<!tpu.dma_semaphore, #tpu.memory_space<semaphore_mem>>) src(%dma_wait3A_130 : memref<128xf32, #tpu.memory_space<hbm>>) dst(%dma_wait3A_129 : memref<128xf32, #tpu.memory_space<vmem>>)
      %parallel_loop3A_131 = arith.constant 9984 : i32
      %parallel_loop3A_132 = arith.constant 10112 : i32
      %parallel_loop3A_133 = arith.constant 16 : i32
      scf.for %parallel_loop3A_146 = %parallel_loop3A_131 to %parallel_loop3A_132 step %parallel_loop3A_133  : i32 {
        %parallel_loop3A_147 = arith.constant 0 : i32
        %parallel_loop3A_148 = arith.index_cast %parallel_loop3A_147 : i32 to index
        %parallel_loop3A_149 = arith.index_cast %parallel_loop3A_146 : i32 to index
        %parallel_loop3A_150 = tpu.vector_load %arg7[%parallel_loop3A_148, %parallel_loop3A_149] {strides = array<i32>} : memref<2x10112xi32, #tpu.memory_space<vmem>>, vector<16xi32>,
        %parallel_loop3A_151 = arith.constant 1 : i32
        %parallel_loop3A_152 = arith.index_cast %parallel_loop3A_151 : i32 to index
        %parallel_loop3A_153 = arith.index_cast %parallel_loop3A_146 : i32 to index
        %parallel_loop3A_154 = tpu.vector_load %arg7[%parallel_loop3A_152, %parallel_loop3A_153] {strides = array<i32>} : memref<2x10112xi32, #tpu.memory_space<vmem>>, vector<16xi32>,
        %parallel_loop3A_155 = tpu.vector_load_idx %arg6[%parallel_loop3A_150] : memref<10000xi32, #tpu.memory_space<vmem>>[vector<16xi32>], vector<16xi32>,
        %parallel_loop3A_156 = tpu.vector_load_idx %arg6[%parallel_loop3A_154] : memref<10000xi32, #tpu.memory_space<vmem>>[vector<16xi32>], vector<16xi32>,
        %parallel_loop3A_157 = vector.broadcast %cond3A_100 : i32 to vector<16xi32>
        %parallel_loop3A_158 = arith.andi %parallel_loop3A_155, %parallel_loop3A_157 : vector<16xi32>
        %parallel_loop3A_159 = vector.bitcast %parallel_loop3A_158 : vector<16xi32> to vector<16xf32>
        %parallel_loop3A_160 = arith.constant 16 : i32
        %parallel_loop3A_161 = vector.broadcast %parallel_loop3A_160 : i32 to vector<16xi32>
        %parallel_loop3A_162 = arith.shli %parallel_loop3A_156, %parallel_loop3A_161 : vector<16xi32>
        %parallel_loop3A_163 = vector.bitcast %parallel_loop3A_162 : vector<16xi32> to vector<16xf32>
        %parallel_loop3A_164 = arith.addf %parallel_loop3A_159, %parallel_loop3A_163 : vector<16xf32>
        %parallel_loop3A_165 = arith.constant 0.000000e+00 : f32
        %parallel_loop3A_166 = vector.broadcast %parallel_loop3A_165 : f32 to vector<16xf32>
        %parallel_loop3A_167 = arith.subf %parallel_loop3A_166, %parallel_loop3A_164 : vector<16xf32>
        %parallel_loop3A_168 = math.exp %parallel_loop3A_167 : vector<16xf32>
        %parallel_loop3A_169 = arith.constant 1.000000e+00 : f32
        %parallel_loop3A_170 = vector.broadcast %parallel_loop3A_169 : f32 to vector<16xf32>
        %parallel_loop3A_171 = arith.addf %parallel_loop3A_170, %parallel_loop3A_168 : vector<16xf32>
        %parallel_loop3A_172 = arith.constant 1.000000e+00 : f32
        %parallel_loop3A_173 = vector.broadcast %parallel_loop3A_172 : f32 to vector<16xf32>
        %parallel_loop3A_174 = arith.divf %parallel_loop3A_173, %parallel_loop3A_171 : vector<16xf32>
        %parallel_loop3A_175 = arith.index_cast %parallel_loop3A_146 : i32 to index
        %parallel_loop3A_176 = tpu.vector_load %arg8[%parallel_loop3A_175] {strides = array<i32>} : memref<10112xf32, #tpu.memory_space<vmem>>, vector<16xf32>,
        %parallel_loop3A_177 = arith.mulf %parallel_loop3A_176, %parallel_loop3A_174 : vector<16xf32>
        %parallel_loop3A_178 = arith.index_cast %parallel_loop3A_146 : i32 to index
        %parallel_loop3A_179 = tpu.vector_load %arg9[%parallel_loop3A_178] {strides = array<i32>} : memref<10112xf32, #tpu.memory_space<vmem>>, vector<16xf32>,
        tpu.vector_store %arg9[%parallel_loop3A_178], %parallel_loop3A_177 {strides = array<i32>} : memref<10112xf32, #tpu.memory_space<vmem>>, vector<16xf32>,
      } {sc.loop_unroll_factor = 8 : i64, sc.parallel_access}
      %dma_start3A_134 = arith.constant 9984 : i32
      %dma_start3A_135 = tpu.memref_slice %arg9[%dma_start3A_134] : memref<10112xf32, #tpu.memory_space<vmem>> -> memref<128xf32, #tpu.memory_space<vmem>>
      %dma_start3A_136 = tpu.memref_slice %arg5[%multiple_of3A_42] : memref<320000xf32, #tpu.memory_space<hbm>> -> memref<128xf32, #tpu.memory_space<hbm>>
      %dma_start3A_137 = tpu.memref_slice %arg5[%multiple_of3A_42] : memref<320000xf32, #tpu.memory_space<hbm>> -> memref<128xf32, #tpu.memory_space<hbm>>
      %dma_start3A_138 = arith.constant 9984 : i32
      %dma_start3A_139 = tpu.memref_slice %arg9[%dma_start3A_138] : memref<10112xf32, #tpu.memory_space<vmem>> -> memref<128xf32, #tpu.memory_space<vmem>>
      tpu.enqueue_dma source(%dma_start3A_139 : memref<128xf32, #tpu.memory_space<vmem>>) target(%dma_start3A_137 : memref<128xf32, #tpu.memory_space<hbm>>) target_semaphore(%arg11 : memref<!tpu.dma_semaphore, #tpu.memory_space<semaphore_mem>>)
      %dma_wait3A_140 = arith.constant 9984 : i32
      %dma_wait3A_141 = tpu.memref_slice %arg9[%dma_wait3A_140] : memref<10112xf32, #tpu.memory_space<vmem>> -> memref<128xf32, #tpu.memory_space<vmem>>
      %dma_wait3A_142 = tpu.memref_slice %arg5[%multiple_of3A_42] : memref<320000xf32, #tpu.memory_space<hbm>> -> memref<128xf32, #tpu.memory_space<hbm>>
      %dma_wait3A_143 = tpu.memref_slice %arg5[%multiple_of3A_42] : memref<320000xf32, #tpu.memory_space<hbm>> -> memref<128xf32, #tpu.memory_space<hbm>>
      %dma_wait3A_144 = arith.constant 9984 : i32
      %dma_wait3A_145 = tpu.memref_slice %arg9[%dma_wait3A_144] : memref<10112xf32, #tpu.memory_space<vmem>> -> memref<128xf32, #tpu.memory_space<vmem>>
      tpu.wait_dma2 semaphore(%arg11 : memref<!tpu.dma_semaphore, #tpu.memory_space<semaphore_mem>>) src(%dma_wait3A_145 : memref<128xf32, #tpu.memory_space<vmem>>) dst(%dma_wait3A_143 : memref<128xf32, #tpu.memory_space<hbm>>)
    } else {
    }
    %dma_wait3A_103 = arith.constant 0 : i32
    %dma_wait3A_104 = tpu.memref_slice %arg9[%dma_wait3A_103] : memref<10112xf32, #tpu.memory_space<vmem>> -> memref<4992xf32, #tpu.memory_space<vmem>>
    %dma_wait3A_105 = tpu.memref_slice %arg5[%multiple_of3A] : memref<320000xf32, #tpu.memory_space<hbm>> -> memref<4992xf32, #tpu.memory_space<hbm>>
    %dma_wait3A_106 = tpu.memref_slice %arg5[%multiple_of3A] : memref<320000xf32, #tpu.memory_space<hbm>> -> memref<4992xf32, #tpu.memory_space<hbm>>
    %dma_wait3A_107 = arith.constant 0 : i32
    %dma_wait3A_108 = tpu.memref_slice %arg9[%dma_wait3A_107] : memref<10112xf32, #tpu.memory_space<vmem>> -> memref<4992xf32, #tpu.memory_space<vmem>>
    tpu.wait_dma2 semaphore(%arg11 : memref<!tpu.dma_semaphore, #tpu.memory_space<semaphore_mem>>) src(%dma_wait3A_108 : memref<4992xf32, #tpu.memory_space<vmem>>) dst(%dma_wait3A_106 : memref<4992xf32, #tpu.memory_space<hbm>>)
    %dma_wait3A_109 = arith.constant 4992 : i32
    %dma_wait3A_110 = tpu.memref_slice %arg9[%dma_wait3A_109] : memref<10112xf32, #tpu.memory_space<vmem>> -> memref<4992xf32, #tpu.memory_space<vmem>>
    %dma_wait3A_111 = tpu.memref_slice %arg5[%add3A_90] : memref<320000xf32, #tpu.memory_space<hbm>> -> memref<4992xf32, #tpu.memory_space<hbm>>
    %dma_wait3A_112 = tpu.memref_slice %arg5[%add3A_90] : memref<320000xf32, #tpu.memory_space<hbm>> -> memref<4992xf32, #tpu.memory_space<hbm>>
    %dma_wait3A_113 = arith.constant 4992 : i32
    %dma_wait3A_114 = tpu.memref_slice %arg9[%dma_wait3A_113] : memref<10112xf32, #tpu.memory_space<vmem>> -> memref<4992xf32, #tpu.memory_space<vmem>>
    tpu.wait_dma2 semaphore(%arg11 : memref<!tpu.dma_semaphore, #tpu.memory_space<semaphore_mem>>) src(%dma_wait3A_114 : memref<4992xf32, #tpu.memory_space<vmem>>) dst(%dma_wait3A_112 : memref<4992xf32, #tpu.memory_space<hbm>>)
    return
  }
}

module attributes {stable_mosaic.version = 14 : i64} {
  func.func @_pack_body(%arg0: memref<2x128xf32, #tpu.memory_space<vmem>>, %arg1: memref<10000x128xf32, #tpu.memory_space<vmem>>, %arg2: memref<1x1xf32, #tpu.memory_space<vmem>>, %arg3: memref<10000xi32, #tpu.memory_space<vmem>>) attributes {dimension_semantics = [], scalar_prefetch = 0 : i64, scratch_operands = 0 : i64, tpu.core_type = #tpu.core_type<tc>} {
    %get3A = arith.constant 0 : index
    %get3A_0 = arith.constant 0 : index
    %get3A_1 = vector.load %arg0[%get3A, %get3A_0] : memref<2x128xf32, #tpu.memory_space<vmem>>, vector<2x128xf32>
    %get3A_2 = arith.constant 0 : index
    %get3A_3 = arith.constant 0 : index
    %get3A_4 = vector.load %arg1[%get3A_2, %get3A_3] : memref<10000x128xf32, #tpu.memory_space<vmem>>, vector<10000x128xf32>
    %dot_general3A = arith.constant dense<0.000000e+00> : vector<2x10000xf32>
    %dot_general3A_5 = tpu.matmul %get3A_1, %get3A_4, %dot_general3A {dimension_numbers = #tpu.dot_dimension_numbers<[1], [1], [0], [0], [0, 0, 1, 0], [], []>, transpose_lhs_hint = false} : vector<2x128xf32>, vector<10000x128xf32>, vector<2x10000xf32> -> vector<2x10000xf32>
    %slice3A = vector.extract_strided_slice %dot_general3A_5 {offsets = [0, 0], sizes = [1, 10000], strides = [1, 1]} : vector<2x10000xf32> to vector<1x10000xf32>
    %squeeze3A = vector.shape_cast %slice3A : vector<1x10000xf32> to vector<10000xf32>
    %get3A_6 = arith.constant 0 : index
    %get3A_7 = arith.constant 0 : index
    %get3A_8 = vector.load %arg2[%get3A_6, %get3A_7] : memref<1x1xf32, #tpu.memory_space<vmem>>, vector<1x1xf32>
    %get3A_9 = vector.extract %get3A_8[0, 0] : f32 from vector<1x1xf32>
    %add3A = vector.broadcast %get3A_9 : f32 to vector<10000xf32>
    %add3A_10 = arith.addf %squeeze3A, %add3A : vector<10000xf32>
    %bitcast_convert_type3A = tpu.bitcast %add3A_10 : vector<10000xf32> -> vector<10000xi32>
    %slice3A_11 = vector.extract_strided_slice %dot_general3A_5 {offsets = [1, 0], sizes = [1, 10000], strides = [1, 1]} : vector<2x10000xf32> to vector<1x10000xf32>
    %squeeze3A_12 = vector.shape_cast %slice3A_11 : vector<1x10000xf32> to vector<10000xf32>
    %bitcast_convert_type3A_13 = tpu.bitcast %squeeze3A_12 : vector<10000xf32> -> vector<10000xi32>
    %add3A_14 = arith.constant 32768 : i32
    %add3A_15 = vector.broadcast %add3A_14 : i32 to vector<10000xi32>
    %add3A_16 = arith.addi %bitcast_convert_type3A, %add3A_15 : vector<10000xi32>
    %and3A = arith.constant -65536 : i32
    %and3A_17 = vector.broadcast %and3A : i32 to vector<10000xi32>
    %and3A_18 = arith.andi %add3A_16, %and3A_17 : vector<10000xi32>
    %add3A_19 = arith.constant 32768 : i32
    %add3A_20 = vector.broadcast %add3A_19 : i32 to vector<10000xi32>
    %add3A_21 = arith.addi %bitcast_convert_type3A_13, %add3A_20 : vector<10000xi32>
    %shift_right_logical3A = arith.constant 16 : i32
    %shift_right_logical3A_22 = vector.broadcast %shift_right_logical3A : i32 to vector<10000xi32>
    %shift_right_logical3A_23 = arith.shrui %add3A_21, %shift_right_logical3A_22 : vector<10000xi32>
    %or3A = arith.ori %and3A_18, %shift_right_logical3A_23 : vector<10000xi32>
    %bitcast_convert_type3A_24 = tpu.bitcast %or3A : vector<10000xi32> -> vector<10000xi32>
    %swap3A = arith.constant 0 : index
    %swap3A_25 = vector.load %arg3[%swap3A] : memref<10000xi32, #tpu.memory_space<vmem>>, vector<10000xi32>
    tpu.vector_store %arg3[%swap3A], %bitcast_convert_type3A_24 {strides = array<i32>} : memref<10000xi32, #tpu.memory_space<vmem>>, vector<10000xi32>,
    return
  }
}

</mosaic_0001>

<sc_bundles>
// kernel: kernel.4.cloned.1.call-start
scs
__scs_entry_jumppad:
0x0: {  	(pc) =	sbr.rel $0x88, $3  }
0x1: {  	(tag) =	ssettag $0x0;
	lr =	simm.s32 $0x1  }
0x2: {  	[smem:$0x3F9C] =	sst lr;
	_ =	strace $0xD0000000  }
0x3: {  	_ = 	snop  }
0x4: {  	_ = 	snop  }
0x5: {  	_ = 	snop  }
0x6: {  	_ = 	snop  }
0x7: {  	_ = 	snop  }
__scs_overlays_trampoline_lowered:
0x8: {  	[smem:$0x3FAB] =	sst s0  }
0x9: {  	[smem:$0x3FAC] =	sst s1  }
0xa: {  	[smem:$0x3FAD] =	sst s2  }
0xb: {  	[smem:$0x3FAE] =	sst s3  }
0xc: {  	[smem:$0x3FAF] =	sst s4  }
0xd: {  	[smem:$0x3FB0] =	sst s5  }
0xe: {  	[smem:$0x3FB1] =	sst s6  }
0xf: {  	[smem:$0x3FB2] =	sst s7  }
0x10: {  	[smem:$0x3FB3] =	sst s8  }
0x11: {  	[smem:$0x3FB4] =	sst s9;
	s0 =	simm.s32 @!p0 $0x0  }
0x12: {  	s1 =	sld [smem:$0x3F9A];
	s0 =	simm.s32 @p0 $0x1  }
0x13: {  	[smem:$0x3FB5] =	sst s0;
	s0 =	simm.s32 @!p1 $0x0  }
0x14: {  	s2 =	sld [smem:$0x3F99];
	s0 =	simm.s32 @p1 $0x1  }
0x15: {  	[smem:$0x3FB6] =	sst s0;
	s0 =	simm.s32 @!p2 $0x0  }
0x16: {  	s3 =	sld [smem:$0x3FDB];
	s0 =	simm.s32 @p2 $0x1  }
0x17: {  	s4 =	simm.s32 $0x1BF5;
	[smem:$0x3FB8] =	sst s0  }
0x18: {  	s0 =	sld [smem:$0x3F9B];
	_ =	swait.ge [sflag:s4], $0x0  }
0x19: {  	s7 =	sld [smem:$0x3F9C]  }
0x1a: {  	s8 =	sadd.s32 $0xFFFFE003, lr  }
0x1b: {  	s9 =	sadd.s32 $0xFFFFFEF7, lr;
	s5 =	simm.s32 $0xFFFFFFFF;
	p2 =	slt.u32 s8, $0xFFFFF086  }
0x1c: {  	p1 =	slt.u32 s9, $0xF7A;
	s5 =	simm.s32 @!p2 $0x0  }
0x1d: {  	s5 =	simm.s32 @p1 $0x1;
	p0 =	seq.s32 s7, s2  }
0x1e: {  	s7 =	smul.u32 @!p0 $0xF7A, s2;
	p2 =	seq.s32 @!p0 s5, $0x0  }
0x1f: {  	s9 =	smul.u32 $0xF7A, s1;
	s8 =	simm.s32 @!p0 $0x1BF5;
	p2 =	por !p2, p0  }
0x20: {  	[sflag:s8] =	ssyncset.s32 @!p0 $0xFFFFF086;
	s6 =	sadd.s32 @!p0 s3, s7;
	s7 =	simm.s32 @!p0 $0x108  }
0x21: {  	s3 =	sadd.s32 s3, s9;
	s6 =	sadd.s32 @!p0 $0x88, s6;
	s7 =	simm.s32 @p2 $0x1082  }
0x22: {  	[simem:s7], [sflag:s8] =	dma.local @!p0 [hbm:s6], $0xF7A  }
0x23: {  	s9 =	sor.u32 $0xD0000000, s2;
	s6 =	simm.s32 $0x108;
	_ =	swait.ge @!p0 [sflag:s8], $0x0  }
0x24: {  	s3 =	sadd.s32 $0x88, s3;
	s6 =	simm.s32 @!p1 $0x1082;
	[sflag:s4] =	ssyncset.s32 $0xFFFFF086  }
0x25: {  	[simem:s6], [sflag:s4] =	dma.local [hbm:s3], $0xF7A  }
0x26: {  	[smem:$0x3F9C] =	sst s1;
	(tag) =	ssettag s2;
	_ =	strace s9  }
0x27: {  	s1 =	sld [smem:$0x3FAC]  }
0x28: {  	s2 =	sld [smem:$0x3FAD]  }
0x29: {  	s4 =	sld [smem:$0x3FAF]  }
0x2a: {  	p0 =	seq.s32 s5, $0x0;
	s5 =	sld [smem:$0x3FB0]  }
0x2b: {  	s6 =	sld [smem:$0x3FB1]  }
0x2c: {  	s7 =	sld [smem:$0x3FB2]  }
0x2d: {  	s3 =	simm.s32 $0x108;
	s8 =	sld [smem:$0x3FB3]  }
0x2e: {  	s3 =	simm.s32 @!p0 $0x1082;
	s9 =	sld [smem:$0x3FB4]  }
0x2f: {  	lr =	sadd.s32 s0, s3;
	s0 =	sld [smem:$0x3FAB]  }
0x30: {  	s3 =	sld [smem:$0x3FAE]  }
0x31: {  	[smem:$0x3FB7] =	sst s10  }
0x32: {  	s10 =	sld [smem:$0x3FB5];
	_ =	sdelay $0x3  }
0x33: {  	p0 =	seq.s32 s10, $0x1;
	s10 =	sld [smem:$0x3FB7];
	_ =	sdelay $0x3  }
0x34: {  	[smem:$0x3FB7] =	sst s10  }
0x35: {  	s10 =	sld [smem:$0x3FB6];
	_ =	sdelay $0x3  }
0x36: {  	p1 =	seq.s32 s10, $0x1;
	s10 =	sld [smem:$0x3FB7];
	_ =	sdelay $0x3  }
0x37: {  	[smem:$0x3FB7] =	sst s10  }
0x38: {  	s10 =	sld [smem:$0x3FB8]  }
0x39: {  	_ = 	snop;
	(pc) =	sbr.ind lr, $3  }
0x3a: {  	_ = 	snop  }
0x3b: {  	_ = 	snop  }
0x3c: {  	p2 =	seq.s32 s10, $0x1;
	s10 =	sld [smem:$0x3FB7]  }
0x3d: {  	_ =	shalt  }
0x3e: {  	_ =	shalt  }
0x3f: {  	_ =	shalt  }
0x40: {  	_ =	shalt  }
0x41: {  	_ =	shalt  }
0x42: {  	_ =	shalt  }
0x43: {  	_ =	shalt  }
0x44: {  	_ =	shalt  }
0x45: {  	_ =	shalt  }
0x46: {  	_ =	shalt  }
0x47: {  	_ =	shalt  }
0x48: {  	_ =	shalt  }
0x49: {  	_ =	shalt  }
0x4a: {  	_ =	shalt  }
0x4b: {  	_ =	shalt  }
0x4c: {  	_ =	shalt  }
0x4d: {  	_ =	shalt  }
0x4e: {  	_ =	shalt  }
0x4f: {  	_ =	shalt  }
0x50: {  	_ =	shalt  }
0x51: {  	_ =	shalt  }
0x52: {  	_ =	shalt  }
0x53: {  	_ =	shalt  }
0x54: {  	_ =	shalt  }
0x55: {  	_ =	shalt  }
0x56: {  	_ =	shalt  }
0x57: {  	_ =	shalt  }
0x58: {  	_ =	shalt  }
0x59: {  	_ =	shalt  }
0x5a: {  	_ =	shalt  }
0x5b: {  	_ =	shalt  }
0x5c: {  	_ =	shalt  }
0x5d: {  	_ =	shalt  }
0x5e: {  	_ =	shalt  }
0x5f: {  	_ =	shalt  }
0x60: {  	_ =	shalt  }
0x61: {  	_ =	shalt  }
0x62: {  	_ =	shalt  }
0x63: {  	_ =	shalt  }
0x64: {  	_ =	shalt  }
0x65: {  	_ =	shalt  }
0x66: {  	_ =	shalt  }
0x67: {  	_ =	shalt  }
0x68: {  	_ =	shalt  }
0x69: {  	_ =	shalt  }
0x6a: {  	_ =	shalt  }
0x6b: {  	_ =	shalt  }
0x6c: {  	_ =	shalt  }
0x6d: {  	_ =	shalt  }
0x6e: {  	_ =	shalt  }
0x6f: {  	_ =	shalt  }
0x70: {  	_ =	shalt  }
0x71: {  	_ =	shalt  }
0x72: {  	_ =	shalt  }
0x73: {  	_ =	shalt  }
0x74: {  	_ =	shalt  }
0x75: {  	_ =	shalt  }
0x76: {  	_ =	shalt  }
0x77: {  	_ =	shalt  }
0x78: {  	_ =	shalt  }
0x79: {  	_ =	shalt  }
0x7a: {  	_ =	shalt  }
0x7b: {  	_ =	shalt  }
0x7c: {  	_ =	shalt  }
0x7d: {  	_ =	shalt  }
0x7e: {  	_ =	shalt  }
0x7f: {  	_ =	shalt  }
0x80: {  	_ =	shalt  }
0x81: {  	_ =	shalt  }
0x82: {  	_ =	shalt  }
0x83: {  	_ =	shalt  }
0x84: {  	_ =	shalt  }
0x85: {  	_ =	shalt  }
0x86: {  	_ =	shalt  }
0x87: {  	_ =	shalt  }
.Lfunc_end0:
.L_simem_size_0:
called_computation_lowered:
.L_overlay_start_0:
0x88: {  	s2 =	sld [smem:$0x3FD9]  }
0x89: {  	s3 =	sld [smem:$0x3FFE];
	_ =	sdelay $0x1  }
0x8a: {  	s1 =	srdreg.scid  }
0x8b: {  	s0 =	sand.u32 $0x1, s1  }
0x8c: {  	s17 =	sshll.u32 s0, $0xA;
	s2 =	sadd.s32 s3, s2  }
0x8d: {  	s2 =	sadd.s32 s2, s17  }
0x8e: {  	[smem:$0x3FC3] =	sst s2  }
0x8f: {  	_ = 	snop  }
0x90: {  	s2 =	sld [smem:$0x3FC8]  }
0x91: {  	s18 =	sld [smem:$0x3FC7]  }
0x92: {  	s4 =	sld [smem:$0x3FD0];
	(tm) =	ssettm $0x1  }
0x93: {  	s5 =	sld [smem:$0x3FFB];
	_ =	sdelay $0x3  }
0x94: {  	_ =	strace s5  }
0x95: {  	s5 =	sld [smem:$0x3FFC];
	_ =	sdelay $0x3  }
0x96: {  	_ =	strace s5  }
0x97: {  	s5 =	sld [smem:$0x3FFD];
	_ =	sdelay $0x3  }
0x98: {  	_ =	strace s5  }
0x99: {  	_ =	strace $0x8FFFFFFF  }
0x9a: {  	s19 =	sld [smem:$0x3FDB];
	_ =	sdelay $0x1  }
0x9b: {  	s6 =	simm.s32 $_scs_section_size  }
0x9c: {  	s7 =	simm.s32 $_size__tile_overlayer_lowered;
	s8 =	simm.s32 $_tile_overlayer_lowered  }
0x9d: {  	s22 =	simm.s32 $0x1BFF;
	s21 =	sshll.u32 s8, $0x1;
	s5 =	sadd.s32 s6, s19  }
0x9e: {  	s9 =	simm.s32 $0x0;
	s20 =	sshll.u32 s7, $0x1;
	s7 =	sadd.s32 s21, s5  }
0x9f: {  	[timem:s9], [sflag:s22] =	dma.local [hbm:s7], s20  }
0xa0: {  	_ =	swait.ge [sflag:s22], s20  }
0xa1: {  	s6 =	ssub.s32 $0x0, s20;
	[sflag:s22] =	ssyncset.done $0x0  }
0xa2: {  	[sflag:s22] =	ssyncadd.s32 s6;
	_ =	sdelay $0x1  }
0xa3: {  	s23 =	simm.s32 $0x1B8B  }
0xa4: {  	_ =	swait.ge [sflag:s23], $0x1  }
0xa5: {  	[sflag:s23] =	ssyncset.done $0x0  }
0xa6: {  	s25 =	simm.s32 $0x1B8E;
	s24 =	sld [smem:$0x3FFE];
	[sflag:s23] =	ssyncadd.s32 $0xFFFFFFFF  }
0xa7: {  	s26 =	simm.s32 $execute0_lowered;
	[smem:$0x3FD2] =	sst s25  }
0xa8: {  	s7 =	sshll.u32 s26, $0x1;
	_ =	strace $0x80000046;
	[dreg:$0x1] =	wrdreg $0xFFFFFFFF  }
0xa9: {  	s28 =	simm.s32 $_size_execute0_lowered;
	s5 =	sadd.s32 s5, s7;
	[dreg:$0x0] =	wrdreg $0x0  }
0xaa: {  	s7 =	sshll.u32 s28, $0x1;
	[dreg:$0x2] =	wrdreg s5  }
0xab: {  	[dreg:$0x3] =	wrdreg s7  }
0xac: {  	[dreg:$0x4] =	wrdreg $0xC0  }
0xad: {  	_ =	task [dreg:s9], $0x5FFFF  }
0xae: {  	[dreg:$0x1] =	wrdreg $0xFFFFFFFF  }
0xaf: {  	[dreg:$0x0] =	wrdreg $0x60  }
0xb0: {  	[dreg:$0x2] =	wrdreg s24  }
0xb1: {  	[dreg:$0x3] =	wrdreg s2  }
0xb2: {  	[dreg:$0x4] =	wrdreg s18  }
0xb3: {  	[dreg:$0x5] =	wrdreg s4  }
0xb4: {  	[dreg:$0x6] =	wrdreg $0x9  }
0xb5: {  	_ =	task.clear_ibuf [dreg:s9], $0x7FFFF;
	_ =	strace $0x90000046  }
0xb6: {  	s29 =	simm.s32 $0x9;
	_ =	strace $0x80000048  }
0xb7: {  	_ =	swait.ge [sflag:s29], $0x1  }
0xb8: {  	[sflag:s29] =	ssyncadd.s32 $0xFFFFFFFF  }
0xb9: {  	_ =	strace $0x90000048  }
0xba: {  	_ =	sfence  }
0xbb: {  	s30 =	sld [smem:$0x0];
	_ =	sdelay $0x2  }
0xbc: {  	s31 =	sshll.u32 s1, $0xD;
	s1 =	sshrl.u32 s1, $0x2  }
0xbd: {  	s3 =	sand.u32 $0x4000, s31;
	s1 =	sadd.s32 s1, s30  }
0xbe: {  	s0 =	sor.u32 s3, s0;
	s1 =	sshll.u32 s1, $0x11  }
0xbf: {  	s0 =	sor.u32 s1, s0  }
0xc0: {  	s0 =	sadd.s32 $0x8F2B, s0  }
0xc1: {  	[sflag:s0] =	ssyncadd.remote.s32 $0x1  }
0xc2: {  	_ =	sfence.sel $0xFFFF  }
0xc3: {  	[dreg:$0x0] =	wrdreg $0xFFFFFFFF;
	(pc) =	sbr.abs _section_cstart, $3  }
0xc4: {  	[dreg:$0x1] =	wrdreg $0xFFFFFFFF  }
0xc5: {  	_ =	task.clear_ibuf [dreg:s9], $0x2FFFF;
	_ =	strace $0x9FFFFFFF  }
0xc6: {  	(tm) =	ssettm $0x7FFFFFFF  }
0xc7: {  	_ =	shalt  }
tec
execute0_lowered:
.L_overlay_start_1:
0x0: {  	(tag) =	ssettag $0x1  }
0x1: {  	s3 =	rddreg [dreg:$0x0]  }
0x2: {  	s8 =	rddreg [dreg:$0x1]  }
0x3: {  	s1 =	srdreg.scid;
	s9 =	rddreg [dreg:$0x2]  }
0x4: {  	s0 =	stileid.u32;
	s12 =	rddreg [dreg:$0x3];
	s2 =	simm.s32 $0x0  }
0x5: {  	s17 =	simm.s32 $0x8A00;
	s18 =	simm.s32 $0x1;
	s19 =	simm.s32 $0x9E00  }
0x6: {  	s20 =	simm.s32 $0xB180;
	s21 =	simm.s32 $0xC500;
	s22 =	simm.s32 $0x2  }
0x7: {  	s4 =	sand.u32 $0x1, s1;
	s28 =	sshll.u32 s0, $0x1;
	s1 =	rddreg [dreg:$0x4]  }
0x8: {  	s23 =	simm.s32 $0x0;
	[smem:$0x7FF] =	sst s2;
	s5 =	sor.u32 s4, s28  }
0x9: {  	s3 =	sadd.s32 $0xA00, s3;
	s4 =	ssub.s32 $0x2, s4;
	s6 =	smul.u32 $0x2700, s5  }
0xa: {  	p0 =	sgt.u32 s0, $0x1;
	s7 =	smul.u32 $0x9C0, s5;
	s10 =	sshrl.u32 s4, $0x1  }
0xb: {  	_ =	strace $0x80000047;
	s11 =	sshll.u32 s5, $0x7;
	s13 =	ssub.s32 s4, s10  }
0xc: {  	s11 =	sor.u32 $0x4E000, s11;
	s4 =	sadd.s32 s8, s7;
	s29 =	sadd.s32 $0x1380, s6  }
0xd: {  	s30 =	sshrl.u32 s6, $0x3;
	s15 =	sshrl.u32 s11, $0x2;
	s16 =	sshrl.u32 s11, $0x3  }
.Ltmp0:
0xe: {  	s13 =	smax.u32 s13, $0x1;
	s31 =	sshrl.u32 s29, $0x2;
	(pc) =	sbr.rel .LBB2_1-.Ltmp0, $4  }
0xf: {  	s5 =	sadd.s32 s9, s30;
	s14 =	sshrl.u32 s29, $0x3;
	s10 =	sadd.s32 s12, s30  }
0x10: {  	s6 =	sadd.s32 s8, s31;
	s7 =	sadd.s32 s9, s14;
	s8 =	sadd.s32 s8, s15  }
0x11: {  	s9 =	sadd.s32 s9, s16;
	s11 =	sadd.s32 s12, s14;
	s12 =	sadd.s32 s12, s16  }
0x12: {  	s14 =	simm.s32 $0x2780;
	s15 =	simm.s32 $0x7680;
	s16 =	simm.s32 $0x4E80  }
.LBB2_7:
0x13: {  	s23 =	sadd.s32 $0x1, s23  }
0x14: {  	_ =	swait.ge [sflag:s22], $0x1380;
	p1 =	sne.s32 s23, s13  }
.Ltmp1:
0x15: {  	[sflag:s22] =	ssyncset.done $0x0;
	(pc) =	sbr.rel @!p1 .LBB2_8-.Ltmp1, $4  }
0x16: {  	[sflag:s22] =	ssyncadd.s32 $0xFFFFEC80  }
0x17: {  	_ =	swait.ge [sflag:s22], $0x1380  }
0x18: {  	[sflag:s22] =	ssyncset.done $0x0  }
0x19: {  	[sflag:s22] =	ssyncadd.s32 $0xFFFFEC80  }
.LBB2_1:
0x1a: {  	[tilespmem:s2], [sflag:$0x1] =	stream.linear.gather [hbm4b:s3+s2], $0x2780, $0x38;
	[tilespmem:$0xC580] =	vst v63  }
0x1b: {  	_ = 	snop  }
0x1c: {  	[tilespmem:s14], [sflag:$0x1] =	stream.linear.gather [hbm4b:s4+s2], $0x2700, $0x38;
	[tilespmem:$0xC580] =	vst v63  }
0x1d: {  	_ = 	snop  }
0x1e: {  	[tilespmem:s15], [sflag:$0x1] =	stream.linear.gather [hbm4b:s5+s2], $0x1380, $0x38;
	[tilespmem:$0xC580] =	vst v63  }
0x1f: {  	_ = 	snop  }
0x20: {  	[tilespmem:s16], [sflag:$0x1] =	stream.linear.gather [hbm4b:s6+s2], $0x2700, $0x38;
	[tilespmem:$0xC580] =	vst v63  }
0x21: {  	_ = 	snop  }
0x22: {  	[tilespmem:s17], [sflag:$0x1] =	stream.linear.gather [hbm4b:s7+s2], $0x1380, $0x38;
	[tilespmem:$0xC580] =	vst v63  }
0x23: {  	s24 =	simm.s32 @!p0 $0x0;
	s25 =	simm.s32 @!p0 $0x7580  }
0x24: {  	[tilespmem:s25], [sflag:$0x1] =	stream.linear.gather @!p0 [hbm4b:s8+s24], $0x100, $0x38;
	[tilespmem:$0xC580] =	vst v63  }
0x25: {  	s25 =	simm.s32 @!p0 $0x9D80  }
0x26: {  	[tilespmem:s25], [sflag:$0x1] =	stream.linear.gather @!p0 [hbm4b:s9+s24], $0x80, $0x38;
	[tilespmem:$0xC580] =	vst v63  }
0x27: {  	_ =	swait.ge [sflag:s18], $0x2780  }
0x28: {  	[sflag:s18] =	ssyncset.done $0x0  }
0x29: {  	[sflag:s18] =	ssyncadd.s32 $0xFFFFD880  }
0x2a: {  	_ =	swait.ge [sflag:s18], $0x2700  }
0x2b: {  	[sflag:s18] =	ssyncset.done $0x0  }
0x2c: {  	[sflag:s18] =	ssyncadd.s32 $0xFFFFD900  }
0x2d: {  	_ =	swait.ge [sflag:s18], $0x1380  }
0x2e: {  	[sflag:s18] =	ssyncset.done $0x0  }
0x2f: {  	s26 =	simm.s32 $0x2800;
	[sflag:s18] =	ssyncadd.s32 $0xFFFFEC80  }
0x30: {  	v0 =	vld [tilespmem:s26+$0xFFFFFFF0]  }
0x31: {  	v1 =	vld [tilespmem:s26+$0x70]  }
0x32: {  	v2 =	vld [tilespmem:s26+$0x0]  }
0x33: {  	v3 =	vld [tilespmem:s26+$0xFFFFFF90]  }
0x34: {  	v4 =	vld [tilespmem:s26+$0x10]  }
0x35: {  	v5 =	vld [tilespmem:s26+$0xFFFFFFA0]  }
0x36: {  	v6 =	vld [tilespmem:s26+$0x20]  }
0x37: {  	v7 =	vld [tilespmem:s26+$0xFFFFFFB0]  }
0x38: {  	v0 =	vld.idx.msk [tilespmem:v0+s2+$0x0], $0xffff  }
0x39: {  	v1 =	vld.idx.msk [tilespmem:v1+s2+$0x0], $0xffff  }
0x3a: {  	v8 =	vld [tilespmem:s26+$0x30]  }
0x3b: {  	v9 =	vld [tilespmem:s26+$0xFFFFFFC0]  }
0x3c: {  	v10 =	vld [tilespmem:s26+$0x40]  }
0x3d: {  	v11 =	vld [tilespmem:s26+$0xFFFFFFD0]  }
0x3e: {  	v12 =	vld [tilespmem:s26+$0x50];
	v0 =	vand.u32 $0xFFFF0000, v0;
	v1 =	vshll.u32 v1, $0x10  }
0x3f: {  	v0 =	vadd.f32 v1, v0;
	v1 =	vld [tilespmem:s26+$0xFFFFFF80]  }
0x40: {  	v13 =	vld [tilespmem:s26+$0xFFFFFFE0]  }
0x41: {  	v2 =	vld.idx.msk [tilespmem:v2+s2+$0x0], $0xffff;
	v0 =	vsub.f32 $0.0e+00, v0  }
0x42: {  	v3 =	vld.idx.msk [tilespmem:v3+s2+$0x0], $0xffff  }
0x43: {  	v4 =	vld.idx.msk [tilespmem:v4+s2+$0x0], $0xffff;
	v0 =	vmul.f32 $1.442695020e+00, v0  }
0x44: {  	v5 =	vld.idx.msk [tilespmem:v5+s2+$0x0], $0xffff  }
0x45: {  	(erf) = vpow2.f32 v0;
	v0 =	vld.idx.msk [tilespmem:v7+s2+$0x0], $0xffff  }
0x46: {  	v7 =	vld.idx.msk [tilespmem:v8+s2+$0x0], $0xffff  }
0x47: {  	v1 =	vld.idx.msk [tilespmem:v1+s2+$0x0], $0xffff  }
0x48: {  	v6 =	vld.idx.msk [tilespmem:v6+s2+$0x0], $0xffff  }
0x49: {  	v14 =	vld [tilespmem:s26+$0x60]  }
0x4a: {  	s31 =	simm.s32 $0x2900  }
0x4b: {  	v15 =	vld [tilespmem:s31+$0xFFFFFFD0];
	v3 =	vand.u32 $0xFFFF0000, v3;
	v4 =	vshll.u32 v4, $0x10;
	v2 =	vshll.u32 v2, $0x10  }
0x4c: {  	v3 =	vadd.f32 v4, v3;
	v4 =	vld.idx.msk [tilespmem:v10+s2+$0x0], $0xffff;
	v7 =	vshll.u32 v7, $0x10;
	v1 =	vand.u32 $0xFFFF0000, v1  }
0x4d: {  	v5 =	vand.u32 $0xFFFF0000, v5;
	v6 =	vshll.u32 v6, $0x10;
	v8 =	vld.idx.msk [tilespmem:v9+s2+$0x0], $0xffff;
	v1 =	vadd.f32 v2, v1  }
0x4e: {  	v5 =	vadd.f32 v6, v5;
	v6 =	vld.idx.msk [tilespmem:v12+s2+$0x0], $0xffff;
	v0 =	vand.u32 $0xFFFF0000, v0  }
0x4f: {  	v9 =	vld.idx.msk [tilespmem:v11+s2+$0x0], $0xffff;
	v0 =	vadd.f32 v7, v0;
	v7 =	vpop (erf);
	v1 =	vsub.f32 $0.0e+00, v1  }
0x50: {  	v10 =	vld.idx.msk [tilespmem:v13+s2+$0x0], $0xffff;
	v7 =	vadd.f32 $1.000000000e+00, v7  }
0x51: {  	v3 =	vsub.f32 $0.0e+00, v3;
	v2 =	vsub.f32 $0.0e+00, v5;
	v5 =	vld.idx.msk [tilespmem:v14+s2+$0x0], $0xffff;
	v1 =	vmul.f32 $1.442695020e+00, v1  }
0x52: {  	v13 =	vld [tilespmem:s31+$0x40];
	v4 =	vshll.u32 v4, $0x10;
	v8 =	vand.u32 $0xFFFF0000, v8;
	(erf) = vrcp.f32 v7  }
0x53: {  	v3 =	vmul.f32 $1.442695020e+00, v3;
	v4 =	vadd.f32 v4, v8;
	v8 =	vld [tilespmem:s31+$0xFFFFFFF0];
	(erf) = vpow2.f32 v1  }
0x54: {  	v12 =	vld [tilespmem:s31+$0x70];
	v6 =	vshll.u32 v6, $0x10;
	v9 =	vand.u32 $0xFFFF0000, v9;
	v0 =	vsub.f32 $0.0e+00, v0  }
0x55: {  	v17 =	vld [tilespmem:s31+$0x50];
	v6 =	vadd.f32 v6, v9;
	v9 =	vand.u32 $0xFFFF0000, v10;
	v2 =	vmul.f32 $1.442695020e+00, v2  }
0x56: {  	v18 =	vld [tilespmem:s31+$0xFFFFFFE0];
	v0 =	vmul.f32 $1.442695020e+00, v0;
	v5 =	vshll.u32 v5, $0x10;
	(erf) = vpow2.f32 v3  }
0x57: {  	v19 =	vld [tilespmem:s31+$0x60];
	v4 =	vsub.f32 $0.0e+00, v4;
	v5 =	vadd.f32 v5, v9;
	(erf) = vpow2.f32 v2  }
0x58: {  	s30 =	simm.s32 $0x76C0;
	v15 =	vld.idx.msk [tilespmem:v15+s2+$0x0], $0xffff;
	v6 =	vsub.f32 $0.0e+00, v6;
	(erf) = vpow2.f32 v0  }
0x59: {  	v11 =	vld [tilespmem:s30+$0x30];
	v4 =	vmul.f32 $1.442695020e+00, v4;
	v5 =	vsub.f32 $0.0e+00, v5  }
0x5a: {  	v13 =	vld.idx.msk [tilespmem:v13+s2+$0x0], $0xffff;
	v6 =	vmul.f32 $1.442695020e+00, v6  }
0x5b: {  	v5 =	vmul.f32 $1.442695020e+00, v5;
	(erf) = vpow2.f32 v4;
	v4 =	vld.idx.msk [tilespmem:v8+s2+$0x0], $0xffff;
	v8 =	vpop (erf)  }
0x5c: {  	(erf) = vpow2.f32 v6;
	v6 =	vld.idx.msk [tilespmem:v12+s2+$0x0], $0xffff;
	v12 =	vpop (erf)  }
0x5d: {  	v10 =	vld [tilespmem:s31+$0xFFFFFFC0];
	(erf) = vpow2.f32 v5;
	v12 =	vadd.f32 $1.000000000e+00, v12  }
0x5e: {  	v7 =	vld [tilespmem:s31+$0x0]  }
0x5f: {  	v1 =	vld [tilespmem:s31+$0xFFFFFF90];
	v14 =	vpop (erf)  }
0x60: {  	v3 =	vld [tilespmem:s31+$0x10];
	v16 =	vpop (erf);
	v14 =	vadd.f32 $1.000000000e+00, v14  }
0x61: {  	v2 =	vld [tilespmem:s31+$0xFFFFFFA0];
	v16 =	vadd.f32 $1.000000000e+00, v16;
	(erf) = vrcp.f32 v12;
	v12 =	vpop (erf)  }
0x62: {  	v9 =	vld [tilespmem:s31+$0x20];
	v12 =	vadd.f32 $1.000000000e+00, v12  }
0x63: {  	v5 =	vld [tilespmem:s31+$0x30];
	v4 =	vand.u32 $0xFFFF0000, v4;
	v6 =	vshll.u32 v6, $0x10  }
0x64: {  	v4 =	vadd.f32 v6, v4;
	v6 =	vld [tilespmem:s31+$0xFFFFFF80];
	(erf) = vrcp.f32 v14;
	v14 =	vpop (erf)  }
0x65: {  	v0 =	vld [tilespmem:s31+$0xFFFFFFB0];
	(erf) = vrcp.f32 v16;
	v14 =	vadd.f32 $1.000000000e+00, v14;
	v16 =	vpop (erf)  }
0x66: {  	v7 =	vld.idx.msk [tilespmem:v7+s2+$0x0], $0xffff;
	v4 =	vsub.f32 $0.0e+00, v4;
	v16 =	vadd.f32 $1.000000000e+00, v16;
	(erf) = vrcp.f32 v12;
	v12 =	vpop (erf)  }
0x67: {  	v1 =	vld.idx.msk [tilespmem:v1+s2+$0x0], $0xffff;
	(erf) = vrcp.f32 v14;
	v12 =	vadd.f32 $1.000000000e+00, v12  }
0x68: {  	v14 =	vld.idx.msk [tilespmem:v3+s2+$0x0], $0xffff;
	v3 =	vmul.f32 $1.442695020e+00, v4;
	(erf) = vrcp.f32 v16  }
0x69: {  	v2 =	vld.idx.msk [tilespmem:v2+s2+$0x0], $0xffff;
	(erf) = vrcp.f32 v12  }
0x6a: {  	v4 =	vld.idx.msk [tilespmem:v9+s2+$0x0], $0xffff;
	(erf) = vpow2.f32 v3  }
0x6b: {  	v12 =	vld.idx.msk [tilespmem:v5+s2+$0x0], $0xffff  }
0x6c: {  	v6 =	vld.idx.msk [tilespmem:v6+s2+$0x0], $0xffff;
	v20 =	vpop (erf)  }
0x6d: {  	v1 =	vand.u32 $0xFFFF0000, v1;
	v9 =	vld.idx.msk [tilespmem:v0+s2+$0x0], $0xffff;
	v5 =	vpop (erf)  }
0x6e: {  	v10 =	vld.idx.msk [tilespmem:v10+s2+$0x0], $0xffff;
	v2 =	vand.u32 $0xFFFF0000, v2;
	v3 =	vpop (erf)  }
0x6f: {  	v16 =	vld.idx.msk [tilespmem:v17+s2+$0x0], $0xffff;
	v14 =	vshll.u32 v14, $0x10;
	v4 =	vshll.u32 v4, $0x10;
	v0 =	vpop (erf)  }
0x70: {  	v21 =	vmul.f32 v8, v11;
	v17 =	vld.idx.msk [tilespmem:v18+s2+$0x0], $0xffff;
	v14 =	vadd.f32 v14, v1;
	v1 =	vpop (erf);
	v12 =	vshll.u32 v12, $0x10  }
0x71: {  	v7 =	vshll.u32 v7, $0x10;
	v8 =	vadd.f32 v4, v2;
	v6 =	vand.u32 $0xFFFF0000, v6;
	v2 =	vpop (erf)  }
0x72: {  	v13 =	vshll.u32 v13, $0x10;
	v9 =	vand.u32 $0xFFFF0000, v9;
	v6 =	vadd.f32 v7, v6;
	v4 =	vpop (erf)  }
0x73: {  	v22 =	vld [tilespmem:s30+$0xFFFFFFC0];
	v7 =	vand.u32 $0xFFFF0000, v10;
	v8 =	vsub.f32 $0.0e+00, v8;
	v9 =	vadd.f32 v12, v9;
	v12 =	vpop (erf)  }
0x74: {  	v18 =	vld.idx.msk [tilespmem:v19+s2+$0x0], $0xffff;
	v13 =	vadd.f32 v13, v7;
	v10 =	vadd.f32 $1.000000000e+00, v12  }
0x75: {  	v15 =	vand.u32 $0xFFFF0000, v15;
	v17 =	vand.u32 $0xFFFF0000, v17;
	v11 =	vsub.f32 $0.0e+00, v14;
	v7 =	vld [tilespmem:s30+$0xFFFFFFF0]  }
0x76: {  	v14 =	vmul.f32 $1.442695020e+00, v8;
	v13 =	vsub.f32 $0.0e+00, v13;
	v8 =	vld [tilespmem:s30+$0x10];
	(erf) = vrcp.f32 v10  }
0x77: {  	v19 =	vsub.f32 $0.0e+00, v9;
	v9 =	vld [tilespmem:s30+$0xFFFFFFE0];
	v10 =	vsub.f32 $0.0e+00, v6;
	v6 =	vshll.u32 v16, $0x10  }
0x78: {  	s24 =	simm.s32 $0x7740;
	v12 =	vmul.f32 $1.442695020e+00, v11;
	v11 =	vld [tilespmem:s30+$0xFFFFFFD0];
	v16 =	vmul.f32 $1.442695020e+00, v13;
	v23 =	vadd.f32 v6, v15  }
0x79: {  	v13 =	vld [tilespmem:s24+$0x30];
	v15 =	vmul.f32 $1.442695020e+00, v19;
	v19 =	vshll.u32 v18, $0x10;
	v24 =	vmul.f32 $1.442695020e+00, v10  }
0x7a: {  	s26 =	simm.s32 $0x9E40;
	v6 =	vld [tilespmem:s30+$0x0];
	v19 =	vadd.f32 v19, v17;
	v18 =	vsub.f32 $0.0e+00, v23  }
0x7b: {  	s28 =	simm.s32 $0x80;
	s29 =	simm.s32 $0x2A00;
	s25 =	simm.s32 $0x9E40;
	[tilespmem:s26+$0x30] =	vst v21;
	v10 =	vld [tilespmem:s30+$0x20];
	v17 =	vmul.f32 v20, v22;
	(erf) = vpow2.f32 v24  }
.LBB2_2:
0x7c: {  	v20 =	vld [tilespmem:s29+$0xFFFFFFF0];
	v18 =	vmul.f32 $1.442695020e+00, v18;
	v19 =	vsub.f32 $0.0e+00, v19;
	(erf) = vpow2.f32 v12  }
0x7d: {  	s28 =	sadd.s32 $0x80, s28;
	v5 =	vmul.f32 v5, v11;
	v12 =	vld [tilespmem:s29+$0x70];
	(erf) = vpow2.f32 v14;
	[tilespmem:s26+$0xFFFFFFC0] =	vst v17  }
0x7e: {  	p1 =	slt.u32 s28, $0x1300;
	v11 =	vld [tilespmem:s29+$0x0];
	v14 =	vmul.f32 $1.442695020e+00, v19;
	(erf) = vpow2.f32 v15  }
0x7f: {  	v3 =	vmul.f32 v3, v9;
	v15 =	vld [tilespmem:s29+$0xFFFFFF90];
	(erf) = vpow2.f32 v16;
	v16 =	vpop (erf);
	[tilespmem:s26+$0xFFFFFFD0] =	vst v5  }
0x80: {  	v5 =	vld [tilespmem:s29+$0x10];
	v9 =	vmul.f32 v16, v13;
	(erf) = vpow2.f32 v18  }
0x81: {  	v0 =	vmul.f32 v0, v7;
	s26 =	sadd.s32 $0x80, s26;
	v13 =	vld [tilespmem:s29+$0xFFFFFFA0];
	(erf) = vpow2.f32 v14;
	[tilespmem:s25+$0xFFFFFFE0] =	vst v3  }
0x82: {  	v1 =	vmul.f32 v1, v6;
	v2 =	vmul.f32 v2, v8;
	v3 =	vld [tilespmem:s29+$0x20];
	[tilespmem:s26+$0x30] =	vst v9  }
0x83: {  	v6 =	vld [tilespmem:s29+$0xFFFFFFB0];
	[tilespmem:s25+$0xFFFFFFF0] =	vst v0;
	v0 =	vmul.f32 v4, v10  }
0x84: {  	v4 =	vld.idx.msk [tilespmem:v20+s2+$0x0], $0xffff;
	v7 =	vpop (erf);
	[tilespmem:s25+$0x0] =	vst v1  }
0x85: {  	v1 =	vld.idx.msk [tilespmem:v12+s2+$0x0], $0xffff;
	v12 =	vadd.f32 $1.000000000e+00, v7;
	v8 =	vpop (erf);
	[tilespmem:s25+$0x10] =	vst v2  }
0x86: {  	v2 =	vld [tilespmem:s29+$0x30];
	v14 =	vadd.f32 $1.000000000e+00, v8;
	v9 =	vpop (erf);
	[tilespmem:s25+$0x20] =	vst v0;
	s25 =	smov.u32 s26  }
0x87: {  	v10 =	vld [tilespmem:s29+$0xFFFFFFC0];
	v16 =	vadd.f32 $1.000000000e+00, v9;
	(erf) = vrcp.f32 v12;
	v7 =	vpop (erf)  }
0x88: {  	v9 =	vld [tilespmem:s29+$0x40];
	v17 =	vadd.f32 $1.000000000e+00, v7;
	(erf) = vrcp.f32 v14;
	v8 =	vpop (erf)  }
0x89: {  	v12 =	vld [tilespmem:s29+$0xFFFFFFD0];
	v8 =	vadd.f32 $1.000000000e+00, v8;
	(erf) = vrcp.f32 v16;
	v0 =	vpop (erf)  }
0x8a: {  	v14 =	vld [tilespmem:s29+$0x50];
	v0 =	vadd.f32 $1.000000000e+00, v0;
	(erf) = vrcp.f32 v17;
	v7 =	vpop (erf)  }
0x8b: {  	v4 =	vand.u32 $0xFFFF0000, v4;
	v1 =	vshll.u32 v1, $0x10;
	v16 =	vld [tilespmem:s29+$0xFFFFFFE0];
	v7 =	vadd.f32 $1.000000000e+00, v7  }
0x8c: {  	v1 =	vadd.f32 v1, v4;
	v17 =	vld [tilespmem:s29+$0x60];
	(erf) = vrcp.f32 v8  }
0x8d: {  	v4 =	vld [tilespmem:s29+$0xFFFFFF80];
	(erf) = vrcp.f32 v0  }
0x8e: {  	v0 =	vsub.f32 $0.0e+00, v1;
	v8 =	vld.idx.msk [tilespmem:v11+s2+$0x0], $0xffff;
	(erf) = vrcp.f32 v7  }
0x8f: {  	v1 =	vld.idx.msk [tilespmem:v15+s2+$0x0], $0xffff  }
0x90: {  	v15 =	vmul.f32 $1.442695020e+00, v0;
	v7 =	vld.idx.msk [tilespmem:v5+s2+$0x0], $0xffff;
	v20 =	vpop (erf)  }
0x91: {  	v11 =	vld.idx.msk [tilespmem:v13+s2+$0x0], $0xffff;
	v5 =	vpop (erf)  }
0x92: {  	v13 =	vld.idx.msk [tilespmem:v3+s2+$0x0], $0xffff;
	(erf) = vpow2.f32 v15;
	v3 =	vpop (erf)  }
0x93: {  	v6 =	vld.idx.msk [tilespmem:v6+s2+$0x0], $0xffff;
	v0 =	vpop (erf)  }
0x94: {  	v8 =	vshll.u32 v8, $0x10;
	v15 =	vld.idx.msk [tilespmem:v2+s2+$0x0], $0xffff  }
0x95: {  	v19 =	vand.u32 $0xFFFF0000, v1;
	v18 =	vld.idx.msk [tilespmem:v4+s2+$0x0], $0xffff;
	v1 =	vpop (erf)  }
0x96: {  	v7 =	vshll.u32 v7, $0x10;
	v10 =	vld.idx.msk [tilespmem:v10+s2+$0x0], $0xffff;
	v2 =	vpop (erf)  }
0x97: {  	v7 =	vadd.f32 v7, v19;
	v11 =	vand.u32 $0xFFFF0000, v11;
	v9 =	vld.idx.msk [tilespmem:v9+s2+$0x0], $0xffff;
	v4 =	vpop (erf)  }
0x98: {  	v13 =	vshll.u32 v13, $0x10;
	v19 =	vld.idx.msk [tilespmem:v12+s2+$0x0], $0xffff  }
0x99: {  	v7 =	vsub.f32 $0.0e+00, v7;
	v21 =	vadd.f32 v13, v11;
	v6 =	vand.u32 $0xFFFF0000, v6;
	v13 =	vld.idx.msk [tilespmem:v14+s2+$0x0], $0xffff  }
0x9a: {  	v12 =	vshll.u32 v15, $0x10;
	v15 =	vld.idx.msk [tilespmem:v16+s2+$0x0], $0xffff  }
0x9b: {  	v14 =	vand.u32 $0xFFFF0000, v18;
	v16 =	vsub.f32 $0.0e+00, v21;
	v6 =	vadd.f32 v12, v6;
	v17 =	vld.idx.msk [tilespmem:v17+s2+$0x0], $0xffff;
	v11 =	vpop (erf)  }
0x9c: {  	v8 =	vadd.f32 v8, v14;
	v10 =	vand.u32 $0xFFFF0000, v10;
	v14 =	vadd.f32 $1.000000000e+00, v11;
	v21 =	vld [tilespmem:s24+$0xFFFFFFC0]  }
0x9d: {  	v12 =	vmul.f32 $1.442695020e+00, v7;
	v18 =	vsub.f32 $0.0e+00, v6;
	v6 =	vshll.u32 v9, $0x10;
	v11 =	vld [tilespmem:s24+$0xFFFFFFD0]  }
0x9e: {  	v6 =	vadd.f32 v6, v10;
	v10 =	vand.u32 $0xFFFF0000, v19;
	(erf) = vrcp.f32 v14;
	v9 =	vld [tilespmem:s24+$0xFFFFFFE0]  }
.Ltmp2:
0x9f: {  	v8 =	vsub.f32 $0.0e+00, v8;
	v14 =	vmul.f32 $1.442695020e+00, v16;
	v13 =	vshll.u32 v13, $0x10;
	v7 =	vld [tilespmem:s24+$0xFFFFFFF0];
	(pc) =	sbr.rel @p1 .LBB2_2-.Ltmp2, $4  }
0xa0: {  	v16 =	vsub.f32 $0.0e+00, v6;
	v10 =	vadd.f32 v13, v10;
	v13 =	vand.u32 $0xFFFF0000, v15;
	v6 =	vld [tilespmem:s24+$0x0]  }
0xa1: {  	v22 =	vmul.f32 $1.442695020e+00, v8;
	v15 =	vmul.f32 $1.442695020e+00, v18;
	v17 =	vshll.u32 v17, $0x10;
	v8 =	vld [tilespmem:s24+$0x10]  }
0xa2: {  	v16 =	vmul.f32 $1.442695020e+00, v16;
	v18 =	vsub.f32 $0.0e+00, v10;
	v19 =	vadd.f32 v17, v13;
	v10 =	vld [tilespmem:s24+$0x20];
	s24 =	sadd.s32 $0x80, s24  }
0xa3: {  	s29 =	sadd.s32 $0x100, s29;
	v17 =	vmul.f32 v20, v21;
	v13 =	vld [tilespmem:s24+$0x30];
	(erf) = vpow2.f32 v22  }
0xa4: {  	_ = 	snop  }
0xa5: {  	(erf) = vpow2.f32 v12;
	v12 =	vsub.f32 $0.0e+00, v19;
	_ =	sdelay $0x1  }
0xa6: {  	(erf) = vpow2.f32 v14;
	v12 =	vmul.f32 $1.442695020e+00, v12  }
0xa7: {  	v14 =	vmul.f32 $1.442695020e+00, v18;
	(erf) = vpow2.f32 v15  }
0xa8: {  	(erf) = vpow2.f32 v16  }
0xa9: {  	(erf) = vpow2.f32 v14  }
0xaa: {  	(erf) = vpow2.f32 v12;
	v12 =	vpop (erf)  }
0xab: {  	v14 =	vpop (erf)  }
0xac: {  	v14 =	vadd.f32 $1.000000000e+00, v14;
	_ =	sdelay $0x1  }
0xad: {  	v15 =	vpop (erf)  }
0xae: {  	v15 =	vadd.f32 $1.000000000e+00, v15;
	v16 =	vpop (erf)  }
0xaf: {  	v16 =	vadd.f32 $1.000000000e+00, v16;
	(erf) = vrcp.f32 v14;
	v14 =	vpop (erf)  }
0xb0: {  	v14 =	vadd.f32 $1.000000000e+00, v14  }
0xb1: {  	(erf) = vrcp.f32 v15  }
0xb2: {  	v5 =	vmul.f32 v5, v11;
	v3 =	vmul.f32 v3, v9;
	v15 =	vpop (erf)  }
0xb3: {  	v0 =	vmul.f32 v0, v7;
	(erf) = vrcp.f32 v16;
	v15 =	vadd.f32 $1.000000000e+00, v15;
	v16 =	vpop (erf)  }
0xb4: {  	v1 =	vmul.f32 v1, v6;
	v11 =	vadd.f32 $1.000000000e+00, v16;
	(erf) = vrcp.f32 v14;
	v14 =	vpop (erf)  }
0xb5: {  	[tilespmem:s25+$0xFFFFFFE0] =	vst v3;
	v3 =	vld [tilespmem:s24+$0xFFFFFFD0];
	v2 =	vmul.f32 v2, v8;
	(erf) = vrcp.f32 v15;
	v9 =	vadd.f32 $1.000000000e+00, v14  }
0xb6: {  	[tilespmem:s26+$0xFFFFFFD0] =	vst v5;
	v5 =	vmul.f32 v12, v13;
	(erf) = vrcp.f32 v11;
	v11 =	vld [tilespmem:s24+$0xFFFFFFC0]  }
0xb7: {  	s31 =	sadd.s32 $0x80, s26;
	[tilespmem:s25+$0xFFFFFFF0] =	vst v0;
	(erf) = vrcp.f32 v9  }
0xb8: {  	v4 =	vmul.f32 v4, v10;
	[tilespmem:s31+$0x30] =	vst v5;
	v5 =	vld [tilespmem:s24+$0xFFFFFFE0]  }
0xb9: {  	v0 =	vld [tilespmem:s24+$0xFFFFFFF0];
	[tilespmem:s25+$0x0] =	vst v1;
	v1 =	vpop (erf)  }
0xba: {  	v6 =	vld [tilespmem:s24+$0x0];
	[tilespmem:s25+$0x10] =	vst v2;
	v2 =	vpop (erf)  }
0xbb: {  	v7 =	vld [tilespmem:s24+$0x10];
	[tilespmem:s26+$0xFFFFFFC0] =	vst v17;
	v2 =	vmul.f32 v2, v3;
	v1 =	vmul.f32 v1, v11  }
0xbc: {  	v8 =	vld [tilespmem:s24+$0x20];
	[tilespmem:s25+$0x20] =	vst v4;
	v4 =	vpop (erf)  }
0xbd: {  	v3 =	vpop (erf);
	[tilespmem:s31+$0xFFFFFFC0] =	vst v1;
	v1 =	vmul.f32 v4, v5  }
0xbe: {  	[tilespmem:s31+$0xFFFFFFD0] =	vst v2;
	v4 =	vpop (erf);
	v0 =	vmul.f32 v3, v0  }
0xbf: {  	v2 =	vpop (erf);
	[tilespmem:s31+$0xFFFFFFE0] =	vst v1;
	v1 =	vmul.f32 v4, v6  }
0xc0: {  	v2 =	vmul.f32 v2, v7;
	[tilespmem:s31+$0xFFFFFFF0] =	vst v0;
	v3 =	vpop (erf)  }
0xc1: {  	[tilespmem:s31+$0x0] =	vst v1;
	v0 =	vmul.f32 v3, v8  }
0xc2: {  	[tilespmem:s31+$0x10] =	vst v2  }
0xc3: {  	[tilespmem:s31+$0x20] =	vst v0  }
0xc4: {  	[hbm4b:s10+s2] =	stream.linear.scatter [tilespmem:s19], [sflag:$0x2], $0x1380, $0x38;
	[tilespmem:$0xC580] =	vst v63  }
0xc5: {  	_ =	swait.ge [sflag:s18], $0x2700  }
0xc6: {  	[sflag:s18] =	ssyncset.done $0x0  }
0xc7: {  	[sflag:s18] =	ssyncadd.s32 $0xFFFFD900  }
0xc8: {  	_ =	swait.ge [sflag:s18], $0x1380  }
0xc9: {  	[sflag:s18] =	ssyncset.done $0x0  }
0xca: {  	s26 =	simm.s32 $0x4F70;
	[sflag:s18] =	ssyncadd.s32 $0xFFFFEC80  }
0xcb: {  	v0 =	vld [tilespmem:s26+$0xFFFFFF80]  }
0xcc: {  	v1 =	vld [tilespmem:s26+$0x0]  }
0xcd: {  	v2 =	vld [tilespmem:s26+$0xFFFFFF90]  }
0xce: {  	v3 =	vld [tilespmem:s26+$0xFFFFFF20]  }
0xcf: {  	v4 =	vld [tilespmem:s26+$0xFFFFFFA0]  }
0xd0: {  	v5 =	vld [tilespmem:s26+$0xFFFFFF30]  }
0xd1: {  	v6 =	vld [tilespmem:s26+$0xFFFFFFB0]  }
0xd2: {  	v7 =	vld [tilespmem:s26+$0xFFFFFF40]  }
0xd3: {  	v0 =	vld.idx.msk [tilespmem:v0+s2+$0x0], $0xffff  }
0xd4: {  	v1 =	vld.idx.msk [tilespmem:v1+s2+$0x0], $0xffff  }
0xd5: {  	v8 =	vld [tilespmem:s26+$0xFFFFFFC0]  }
0xd6: {  	v9 =	vld [tilespmem:s26+$0xFFFFFF50]  }
0xd7: {  	v10 =	vld [tilespmem:s26+$0xFFFFFFD0]  }
0xd8: {  	v11 =	vld [tilespmem:s26+$0xFFFFFF60]  }
0xd9: {  	v12 =	vld [tilespmem:s26+$0xFFFFFFE0];
	v0 =	vand.u32 $0xFFFF0000, v0;
	v1 =	vshll.u32 v1, $0x10  }
0xda: {  	v0 =	vadd.f32 v1, v0;
	v1 =	vld [tilespmem:s26+$0xFFFFFF10]  }
0xdb: {  	v13 =	vld [tilespmem:s26+$0xFFFFFF70]  }
0xdc: {  	v2 =	vld.idx.msk [tilespmem:v2+s2+$0x0], $0xffff;
	v0 =	vsub.f32 $0.0e+00, v0  }
0xdd: {  	v3 =	vld.idx.msk [tilespmem:v3+s2+$0x0], $0xffff  }
0xde: {  	v4 =	vld.idx.msk [tilespmem:v4+s2+$0x0], $0xffff;
	v0 =	vmul.f32 $1.442695020e+00, v0  }
0xdf: {  	v5 =	vld.idx.msk [tilespmem:v5+s2+$0x0], $0xffff  }
0xe0: {  	(erf) = vpow2.f32 v0;
	v0 =	vld.idx.msk [tilespmem:v7+s2+$0x0], $0xffff  }
0xe1: {  	v7 =	vld.idx.msk [tilespmem:v8+s2+$0x0], $0xffff  }
0xe2: {  	v1 =	vld.idx.msk [tilespmem:v1+s2+$0x0], $0xffff  }
0xe3: {  	v6 =	vld.idx.msk [tilespmem:v6+s2+$0x0], $0xffff  }
0xe4: {  	v14 =	vld [tilespmem:s26+$0xFFFFFFF0]  }
0xe5: {  	s31 =	simm.s32 $0x5070  }
0xe6: {  	v15 =	vld [tilespmem:s31+$0xFFFFFF60];
	v3 =	vand.u32 $0xFFFF0000, v3;
	v4 =	vshll.u32 v4, $0x10;
	v2 =	vshll.u32 v2, $0x10  }
0xe7: {  	v3 =	vadd.f32 v4, v3;
	v4 =	vld.idx.msk [tilespmem:v10+s2+$0x0], $0xffff;
	v7 =	vshll.u32 v7, $0x10;
	v1 =	vand.u32 $0xFFFF0000, v1  }
0xe8: {  	v5 =	vand.u32 $0xFFFF0000, v5;
	v6 =	vshll.u32 v6, $0x10;
	v8 =	vld.idx.msk [tilespmem:v9+s2+$0x0], $0xffff;
	v1 =	vadd.f32 v2, v1  }
0xe9: {  	v5 =	vadd.f32 v6, v5;
	v6 =	vld.idx.msk [tilespmem:v12+s2+$0x0], $0xffff;
	v0 =	vand.u32 $0xFFFF0000, v0  }
0xea: {  	v9 =	vld.idx.msk [tilespmem:v11+s2+$0x0], $0xffff;
	v0 =	vadd.f32 v7, v0;
	v7 =	vpop (erf);
	v1 =	vsub.f32 $0.0e+00, v1  }
0xeb: {  	v10 =	vld.idx.msk [tilespmem:v13+s2+$0x0], $0xffff;
	v7 =	vadd.f32 $1.000000000e+00, v7  }
0xec: {  	v3 =	vsub.f32 $0.0e+00, v3;
	v2 =	vsub.f32 $0.0e+00, v5;
	v5 =	vld.idx.msk [tilespmem:v14+s2+$0x0], $0xffff;
	v1 =	vmul.f32 $1.442695020e+00, v1  }
0xed: {  	v13 =	vld [tilespmem:s31+$0xFFFFFFD0];
	v4 =	vshll.u32 v4, $0x10;
	v8 =	vand.u32 $0xFFFF0000, v8;
	(erf) = vrcp.f32 v7  }
0xee: {  	v3 =	vmul.f32 $1.442695020e+00, v3;
	v4 =	vadd.f32 v4, v8;
	v8 =	vld [tilespmem:s31+$0xFFFFFF80];
	(erf) = vpow2.f32 v1  }
0xef: {  	v12 =	vld [tilespmem:s31+$0x0];
	v6 =	vshll.u32 v6, $0x10;
	v9 =	vand.u32 $0xFFFF0000, v9;
	v0 =	vsub.f32 $0.0e+00, v0  }
0xf0: {  	v17 =	vld [tilespmem:s31+$0xFFFFFFE0];
	v6 =	vadd.f32 v6, v9;
	v9 =	vand.u32 $0xFFFF0000, v10;
	v2 =	vmul.f32 $1.442695020e+00, v2  }
0xf1: {  	v18 =	vld [tilespmem:s31+$0xFFFFFF70];
	v0 =	vmul.f32 $1.442695020e+00, v0;
	v5 =	vshll.u32 v5, $0x10;
	(erf) = vpow2.f32 v3  }
0xf2: {  	v19 =	vld [tilespmem:s31+$0xFFFFFFF0];
	v4 =	vsub.f32 $0.0e+00, v4;
	v5 =	vadd.f32 v5, v9;
	(erf) = vpow2.f32 v2  }
0xf3: {  	s30 =	simm.s32 $0x8A70;
	v15 =	vld.idx.msk [tilespmem:v15+s2+$0x0], $0xffff;
	v6 =	vsub.f32 $0.0e+00, v6;
	(erf) = vpow2.f32 v0  }
0xf4: {  	v11 =	vld [tilespmem:s30+$0x0];
	v4 =	vmul.f32 $1.442695020e+00, v4;
	v5 =	vsub.f32 $0.0e+00, v5  }
0xf5: {  	v13 =	vld.idx.msk [tilespmem:v13+s2+$0x0], $0xffff;
	v6 =	vmul.f32 $1.442695020e+00, v6  }
0xf6: {  	v5 =	vmul.f32 $1.442695020e+00, v5;
	(erf) = vpow2.f32 v4;
	v4 =	vld.idx.msk [tilespmem:v8+s2+$0x0], $0xffff;
	v8 =	vpop (erf)  }
0xf7: {  	(erf) = vpow2.f32 v6;
	v6 =	vld.idx.msk [tilespmem:v12+s2+$0x0], $0xffff;
	v12 =	vpop (erf)  }
0xf8: {  	v10 =	vld [tilespmem:s31+$0xFFFFFF50];
	(erf) = vpow2.f32 v5;
	v12 =	vadd.f32 $1.000000000e+00, v12  }
0xf9: {  	v7 =	vld [tilespmem:s31+$0xFFFFFF90]  }
0xfa: {  	v1 =	vld [tilespmem:s31+$0xFFFFFF20];
	v14 =	vpop (erf)  }
0xfb: {  	v3 =	vld [tilespmem:s31+$0xFFFFFFA0];
	v16 =	vpop (erf);
	v14 =	vadd.f32 $1.000000000e+00, v14  }
0xfc: {  	v2 =	vld [tilespmem:s31+$0xFFFFFF30];
	v16 =	vadd.f32 $1.000000000e+00, v16;
	(erf) = vrcp.f32 v12;
	v12 =	vpop (erf)  }
0xfd: {  	v9 =	vld [tilespmem:s31+$0xFFFFFFB0];
	v12 =	vadd.f32 $1.000000000e+00, v12  }
0xfe: {  	v5 =	vld [tilespmem:s31+$0xFFFFFFC0];
	v4 =	vand.u32 $0xFFFF0000, v4;
	v6 =	vshll.u32 v6, $0x10  }
0xff: {  	v4 =	vadd.f32 v6, v4;
	v6 =	vld [tilespmem:s31+$0xFFFFFF10];
	(erf) = vrcp.f32 v14;
	v14 =	vpop (erf)  }
0x100: {  	v0 =	vld [tilespmem:s31+$0xFFFFFF40];
	(erf) = vrcp.f32 v16;
	v14 =	vadd.f32 $1.000000000e+00, v14;
	v16 =	vpop (erf)  }
0x101: {  	v7 =	vld.idx.msk [tilespmem:v7+s2+$0x0], $0xffff;
	v4 =	vsub.f32 $0.0e+00, v4;
	v16 =	vadd.f32 $1.000000000e+00, v16;
	(erf) = vrcp.f32 v12;
	v12 =	vpop (erf)  }
0x102: {  	v1 =	vld.idx.msk [tilespmem:v1+s2+$0x0], $0xffff;
	(erf) = vrcp.f32 v14;
	v12 =	vadd.f32 $1.000000000e+00, v12  }
0x103: {  	v14 =	vld.idx.msk [tilespmem:v3+s2+$0x0], $0xffff;
	v3 =	vmul.f32 $1.442695020e+00, v4;
	(erf) = vrcp.f32 v16  }
0x104: {  	v2 =	vld.idx.msk [tilespmem:v2+s2+$0x0], $0xffff;
	(erf) = vrcp.f32 v12  }
0x105: {  	v4 =	vld.idx.msk [tilespmem:v9+s2+$0x0], $0xffff;
	(erf) = vpow2.f32 v3  }
0x106: {  	v12 =	vld.idx.msk [tilespmem:v5+s2+$0x0], $0xffff  }
0x107: {  	v6 =	vld.idx.msk [tilespmem:v6+s2+$0x0], $0xffff;
	v20 =	vpop (erf)  }
0x108: {  	v1 =	vand.u32 $0xFFFF0000, v1;
	v9 =	vld.idx.msk [tilespmem:v0+s2+$0x0], $0xffff;
	v5 =	vpop (erf)  }
0x109: {  	v10 =	vld.idx.msk [tilespmem:v10+s2+$0x0], $0xffff;
	v2 =	vand.u32 $0xFFFF0000, v2;
	v3 =	vpop (erf)  }
0x10a: {  	v16 =	vld.idx.msk [tilespmem:v17+s2+$0x0], $0xffff;
	v14 =	vshll.u32 v14, $0x10;
	v4 =	vshll.u32 v4, $0x10;
	v0 =	vpop (erf)  }
0x10b: {  	v21 =	vmul.f32 v8, v11;
	v17 =	vld.idx.msk [tilespmem:v18+s2+$0x0], $0xffff;
	v14 =	vadd.f32 v14, v1;
	v1 =	vpop (erf);
	v12 =	vshll.u32 v12, $0x10  }
0x10c: {  	v7 =	vshll.u32 v7, $0x10;
	v8 =	vadd.f32 v4, v2;
	v6 =	vand.u32 $0xFFFF0000, v6;
	v2 =	vpop (erf)  }
0x10d: {  	v13 =	vshll.u32 v13, $0x10;
	v9 =	vand.u32 $0xFFFF0000, v9;
	v6 =	vadd.f32 v7, v6;
	v4 =	vpop (erf)  }
0x10e: {  	v22 =	vld [tilespmem:s30+$0xFFFFFF90];
	v7 =	vand.u32 $0xFFFF0000, v10;
	v8 =	vsub.f32 $0.0e+00, v8;
	v9 =	vadd.f32 v12, v9;
	v12 =	vpop (erf)  }
0x10f: {  	v18 =	vld.idx.msk [tilespmem:v19+s2+$0x0], $0xffff;
	v13 =	vadd.f32 v13, v7;
	v10 =	vadd.f32 $1.000000000e+00, v12  }
0x110: {  	v15 =	vand.u32 $0xFFFF0000, v15;
	v17 =	vand.u32 $0xFFFF0000, v17;
	v11 =	vsub.f32 $0.0e+00, v14;
	v7 =	vld [tilespmem:s30+$0xFFFFFFC0]  }
0x111: {  	v14 =	vmul.f32 $1.442695020e+00, v8;
	v13 =	vsub.f32 $0.0e+00, v13;
	v8 =	vld [tilespmem:s30+$0xFFFFFFE0];
	(erf) = vrcp.f32 v10  }
0x112: {  	v19 =	vsub.f32 $0.0e+00, v9;
	v9 =	vld [tilespmem:s30+$0xFFFFFFB0];
	v10 =	vsub.f32 $0.0e+00, v6;
	v6 =	vshll.u32 v16, $0x10  }
0x113: {  	s24 =	simm.s32 $0x8AF0;
	v12 =	vmul.f32 $1.442695020e+00, v11;
	v11 =	vld [tilespmem:s30+$0xFFFFFFA0];
	v16 =	vmul.f32 $1.442695020e+00, v13;
	v23 =	vadd.f32 v6, v15  }
0x114: {  	v13 =	vld [tilespmem:s24+$0x0];
	v15 =	vmul.f32 $1.442695020e+00, v19;
	v19 =	vshll.u32 v18, $0x10;
	v24 =	vmul.f32 $1.442695020e+00, v10  }
0x115: {  	s26 =	simm.s32 $0xB1F0;
	v6 =	vld [tilespmem:s30+$0xFFFFFFD0];
	v19 =	vadd.f32 v19, v17;
	v18 =	vsub.f32 $0.0e+00, v23  }
0x116: {  	s28 =	simm.s32 $0x1400;
	s29 =	simm.s32 $0x5170;
	s25 =	simm.s32 $0xB1F0;
	[tilespmem:s26+$0x0] =	vst v21;
	v10 =	vld [tilespmem:s30+$0xFFFFFFF0];
	v17 =	vmul.f32 v20, v22;
	(erf) = vpow2.f32 v24  }
.LBB2_4:
0x117: {  	v20 =	vld [tilespmem:s29+$0xFFFFFF80];
	v18 =	vmul.f32 $1.442695020e+00, v18;
	v19 =	vsub.f32 $0.0e+00, v19;
	(erf) = vpow2.f32 v12  }
0x118: {  	s28 =	sadd.s32 $0x80, s28;
	v5 =	vmul.f32 v5, v11;
	v12 =	vld [tilespmem:s29+$0x0];
	(erf) = vpow2.f32 v14;
	[tilespmem:s26+$0xFFFFFF90] =	vst v17  }
0x119: {  	p1 =	slt.u32 s28, $0x2680;
	v11 =	vld [tilespmem:s29+$0xFFFFFF90];
	v14 =	vmul.f32 $1.442695020e+00, v19;
	(erf) = vpow2.f32 v15  }
0x11a: {  	v3 =	vmul.f32 v3, v9;
	v15 =	vld [tilespmem:s29+$0xFFFFFF20];
	(erf) = vpow2.f32 v16;
	v16 =	vpop (erf);
	[tilespmem:s26+$0xFFFFFFA0] =	vst v5  }
0x11b: {  	v5 =	vld [tilespmem:s29+$0xFFFFFFA0];
	v9 =	vmul.f32 v16, v13;
	(erf) = vpow2.f32 v18  }
0x11c: {  	v0 =	vmul.f32 v0, v7;
	s26 =	sadd.s32 $0x80, s26;
	v13 =	vld [tilespmem:s29+$0xFFFFFF30];
	(erf) = vpow2.f32 v14;
	[tilespmem:s25+$0xFFFFFFB0] =	vst v3  }
0x11d: {  	v1 =	vmul.f32 v1, v6;
	v2 =	vmul.f32 v2, v8;
	v3 =	vld [tilespmem:s29+$0xFFFFFFB0];
	[tilespmem:s26+$0x0] =	vst v9  }
0x11e: {  	v6 =	vld [tilespmem:s29+$0xFFFFFF40];
	[tilespmem:s25+$0xFFFFFFC0] =	vst v0;
	v0 =	vmul.f32 v4, v10  }
0x11f: {  	v4 =	vld.idx.msk [tilespmem:v20+s2+$0x0], $0xffff;
	v7 =	vpop (erf);
	[tilespmem:s25+$0xFFFFFFD0] =	vst v1  }
0x120: {  	v1 =	vld.idx.msk [tilespmem:v12+s2+$0x0], $0xffff;
	v12 =	vadd.f32 $1.000000000e+00, v7;
	v8 =	vpop (erf);
	[tilespmem:s25+$0xFFFFFFE0] =	vst v2  }
0x121: {  	v2 =	vld [tilespmem:s29+$0xFFFFFFC0];
	v14 =	vadd.f32 $1.000000000e+00, v8;
	v9 =	vpop (erf);
	[tilespmem:s25+$0xFFFFFFF0] =	vst v0;
	s25 =	smov.u32 s26  }
0x122: {  	v10 =	vld [tilespmem:s29+$0xFFFFFF50];
	v16 =	vadd.f32 $1.000000000e+00, v9;
	(erf) = vrcp.f32 v12;
	v7 =	vpop (erf)  }
0x123: {  	v9 =	vld [tilespmem:s29+$0xFFFFFFD0];
	v17 =	vadd.f32 $1.000000000e+00, v7;
	(erf) = vrcp.f32 v14;
	v8 =	vpop (erf)  }
0x124: {  	v12 =	vld [tilespmem:s29+$0xFFFFFF60];
	v8 =	vadd.f32 $1.000000000e+00, v8;
	(erf) = vrcp.f32 v16;
	v0 =	vpop (erf)  }
0x125: {  	v14 =	vld [tilespmem:s29+$0xFFFFFFE0];
	v0 =	vadd.f32 $1.000000000e+00, v0;
	(erf) = vrcp.f32 v17;
	v7 =	vpop (erf)  }
0x126: {  	v4 =	vand.u32 $0xFFFF0000, v4;
	v1 =	vshll.u32 v1, $0x10;
	v16 =	vld [tilespmem:s29+$0xFFFFFF70];
	v7 =	vadd.f32 $1.000000000e+00, v7  }
0x127: {  	v1 =	vadd.f32 v1, v4;
	v17 =	vld [tilespmem:s29+$0xFFFFFFF0];
	(erf) = vrcp.f32 v8  }
0x128: {  	v4 =	vld [tilespmem:s29+$0xFFFFFF10];
	(erf) = vrcp.f32 v0  }
0x129: {  	v0 =	vsub.f32 $0.0e+00, v1;
	v8 =	vld.idx.msk [tilespmem:v11+s2+$0x0], $0xffff;
	(erf) = vrcp.f32 v7  }
0x12a: {  	v1 =	vld.idx.msk [tilespmem:v15+s2+$0x0], $0xffff  }
0x12b: {  	v15 =	vmul.f32 $1.442695020e+00, v0;
	v7 =	vld.idx.msk [tilespmem:v5+s2+$0x0], $0xffff;
	v20 =	vpop (erf)  }
0x12c: {  	v11 =	vld.idx.msk [tilespmem:v13+s2+$0x0], $0xffff;
	v5 =	vpop (erf)  }
0x12d: {  	v13 =	vld.idx.msk [tilespmem:v3+s2+$0x0], $0xffff;
	(erf) = vpow2.f32 v15;
	v3 =	vpop (erf)  }
0x12e: {  	v6 =	vld.idx.msk [tilespmem:v6+s2+$0x0], $0xffff;
	v0 =	vpop (erf)  }
0x12f: {  	v8 =	vshll.u32 v8, $0x10;
	v15 =	vld.idx.msk [tilespmem:v2+s2+$0x0], $0xffff  }
0x130: {  	v19 =	vand.u32 $0xFFFF0000, v1;
	v18 =	vld.idx.msk [tilespmem:v4+s2+$0x0], $0xffff;
	v1 =	vpop (erf)  }
0x131: {  	v7 =	vshll.u32 v7, $0x10;
	v10 =	vld.idx.msk [tilespmem:v10+s2+$0x0], $0xffff;
	v2 =	vpop (erf)  }
0x132: {  	v7 =	vadd.f32 v7, v19;
	v11 =	vand.u32 $0xFFFF0000, v11;
	v9 =	vld.idx.msk [tilespmem:v9+s2+$0x0], $0xffff;
	v4 =	vpop (erf)  }
0x133: {  	v13 =	vshll.u32 v13, $0x10;
	v19 =	vld.idx.msk [tilespmem:v12+s2+$0x0], $0xffff  }
0x134: {  	v7 =	vsub.f32 $0.0e+00, v7;
	v21 =	vadd.f32 v13, v11;
	v6 =	vand.u32 $0xFFFF0000, v6;
	v13 =	vld.idx.msk [tilespmem:v14+s2+$0x0], $0xffff  }
0x135: {  	v12 =	vshll.u32 v15, $0x10;
	v15 =	vld.idx.msk [tilespmem:v16+s2+$0x0], $0xffff  }
0x136: {  	v14 =	vand.u32 $0xFFFF0000, v18;
	v16 =	vsub.f32 $0.0e+00, v21;
	v6 =	vadd.f32 v12, v6;
	v17 =	vld.idx.msk [tilespmem:v17+s2+$0x0], $0xffff;
	v11 =	vpop (erf)  }
0x137: {  	v8 =	vadd.f32 v8, v14;
	v10 =	vand.u32 $0xFFFF0000, v10;
	v14 =	vadd.f32 $1.000000000e+00, v11;
	v21 =	vld [tilespmem:s24+$0xFFFFFF90]  }
0x138: {  	v12 =	vmul.f32 $1.442695020e+00, v7;
	v18 =	vsub.f32 $0.0e+00, v6;
	v6 =	vshll.u32 v9, $0x10;
	v11 =	vld [tilespmem:s24+$0xFFFFFFA0]  }
0x139: {  	v6 =	vadd.f32 v6, v10;
	v10 =	vand.u32 $0xFFFF0000, v19;
	(erf) = vrcp.f32 v14;
	v9 =	vld [tilespmem:s24+$0xFFFFFFB0]  }
.Ltmp3:
0x13a: {  	v8 =	vsub.f32 $0.0e+00, v8;
	v14 =	vmul.f32 $1.442695020e+00, v16;
	v13 =	vshll.u32 v13, $0x10;
	v7 =	vld [tilespmem:s24+$0xFFFFFFC0];
	(pc) =	sbr.rel @p1 .LBB2_4-.Ltmp3, $4  }
0x13b: {  	v16 =	vsub.f32 $0.0e+00, v6;
	v10 =	vadd.f32 v13, v10;
	v13 =	vand.u32 $0xFFFF0000, v15;
	v6 =	vld [tilespmem:s24+$0xFFFFFFD0]  }
0x13c: {  	v22 =	vmul.f32 $1.442695020e+00, v8;
	v15 =	vmul.f32 $1.442695020e+00, v18;
	v17 =	vshll.u32 v17, $0x10;
	v8 =	vld [tilespmem:s24+$0xFFFFFFE0]  }
0x13d: {  	v16 =	vmul.f32 $1.442695020e+00, v16;
	v18 =	vsub.f32 $0.0e+00, v10;
	v19 =	vadd.f32 v17, v13;
	v10 =	vld [tilespmem:s24+$0xFFFFFFF0];
	s24 =	sadd.s32 $0x80, s24  }
0x13e: {  	s29 =	sadd.s32 $0x100, s29;
	v17 =	vmul.f32 v20, v21;
	v13 =	vld [tilespmem:s24+$0x0];
	(erf) = vpow2.f32 v22  }
0x13f: {  	(erf) = vpow2.f32 v12  }
0x140: {  	v34 =	vsub.f32 $0.0e+00, v19;
	(erf) = vpow2.f32 v14  }
0x141: {  	v35 =	vmul.f32 $1.442695020e+00, v18;
	(erf) = vpow2.f32 v15  }
0x142: {  	v12 =	vmul.f32 $1.442695020e+00, v34;
	(erf) = vpow2.f32 v16  }
0x143: {  	(erf) = vpow2.f32 v35  }
0x144: {  	(erf) = vpow2.f32 v12;
	_ =	sdelay $0x1  }
0x145: {  	v36 =	vpop (erf)  }
0x146: {  	v37 =	vpop (erf)  }
0x147: {  	v14 =	vadd.f32 $1.000000000e+00, v37;
	v38 =	vpop (erf)  }
0x148: {  	v15 =	vadd.f32 $1.000000000e+00, v38;
	v39 =	vpop (erf)  }
0x149: {  	v16 =	vadd.f32 $1.000000000e+00, v39;
	(erf) = vrcp.f32 v14;
	v40 =	vpop (erf)  }
0x14a: {  	v14 =	vadd.f32 $1.000000000e+00, v40;
	(erf) = vrcp.f32 v15;
	v41 =	vpop (erf)  }
0x14b: {  	v15 =	vadd.f32 $1.000000000e+00, v41;
	(erf) = vrcp.f32 v16;
	v42 =	vpop (erf)  }
0x14c: {  	v5 =	vmul.f32 v5, v11;
	v43 =	vadd.f32 $1.000000000e+00, v42;
	(erf) = vrcp.f32 v14;
	v44 =	vpop (erf)  }
0x14d: {  	v3 =	vmul.f32 v3, v9;
	[tilespmem:s26+$0xFFFFFF90] =	vst v17;
	v45 =	vadd.f32 $1.000000000e+00, v44;
	(erf) = vrcp.f32 v15  }
0x14e: {  	v47 =	vld [tilespmem:s24+$0xFFFFFF90];
	v0 =	vmul.f32 v0, v7;
	[tilespmem:s26+$0xFFFFFFA0] =	vst v5;
	(erf) = vrcp.f32 v43  }
0x14f: {  	v48 =	vld [tilespmem:s24+$0xFFFFFFA0];
	v1 =	vmul.f32 v1, v6;
	[tilespmem:s25+$0xFFFFFFB0] =	vst v3;
	(erf) = vrcp.f32 v45  }
0x150: {  	v49 =	vld [tilespmem:s24+$0xFFFFFFB0];
	v2 =	vmul.f32 v2, v8;
	[tilespmem:s25+$0xFFFFFFC0] =	vst v0  }
0x151: {  	v50 =	vld [tilespmem:s24+$0xFFFFFFC0];
	v4 =	vmul.f32 v4, v10;
	[tilespmem:s25+$0xFFFFFFD0] =	vst v1  }
0x152: {  	v52 =	vld [tilespmem:s24+$0xFFFFFFD0];
	v46 =	vmul.f32 v36, v13;
	[tilespmem:s25+$0xFFFFFFE0] =	vst v2;
	v51 =	vpop (erf)  }
0x153: {  	s31 =	sadd.s32 $0x80, s26;
	v54 =	vld [tilespmem:s24+$0xFFFFFFE0];
	[tilespmem:s25+$0xFFFFFFF0] =	vst v4;
	v53 =	vpop (erf);
	v1 =	vmul.f32 v51, v47  }
0x154: {  	v56 =	vld [tilespmem:s24+$0xFFFFFFF0];
	[tilespmem:s31+$0x0] =	vst v46;
	v55 =	vpop (erf);
	v2 =	vmul.f32 v53, v48  }
0x155: {  	v57 =	vpop (erf);
	[tilespmem:s31+$0xFFFFFF90] =	vst v1;
	v58 =	vmul.f32 v55, v49  }
0x156: {  	v59 =	vpop (erf);
	[tilespmem:s31+$0xFFFFFFA0] =	vst v2;
	v0 =	vmul.f32 v57, v50  }
0x157: {  	v60 =	vpop (erf);
	[tilespmem:s31+$0xFFFFFFB0] =	vst v58;
	v61 =	vmul.f32 v59, v52  }
.Ltmp4:
0x158: {  	v62 =	vpop (erf);
	v2 =	vmul.f32 v60, v54;
	[tilespmem:s31+$0xFFFFFFC0] =	vst v0;
	(pc) =	sbr.rel @p0 .LBB2_7-.Ltmp4, $4  }
0x159: {  	v63 =	vmul.f32 v62, v56;
	[tilespmem:s31+$0xFFFFFFD0] =	vst v61  }
0x15a: {  	[tilespmem:s31+$0xFFFFFFE0] =	vst v2  }
0x15b: {  	[tilespmem:s31+$0xFFFFFFF0] =	vst v63  }
0x15c: {  	[hbm4b:s11+s2] =	stream.linear.scatter [tilespmem:s20], [sflag:$0x2], $0x1380, $0x38;
	[tilespmem:$0xC580] =	vst v63  }
0x15d: {  	_ =	swait.ge [sflag:s18], $0x100  }
0x15e: {  	[sflag:s18] =	ssyncset.done $0x0  }
0x15f: {  	[sflag:s18] =	ssyncadd.s32 $0xFFFFFF00  }
0x160: {  	_ =	swait.ge [sflag:s18], $0x80  }
0x161: {  	[sflag:s18] =	ssyncset.done $0x0  }
0x162: {  	[sflag:s18] =	ssyncadd.s32 $0xFFFFFF80  }
0x163: {  	v0 =	vld [tilespmem:$0x7580]  }
0x164: {  	v1 =	vld [tilespmem:$0x7600];
	_ =	sdelay $0x6  }
0x165: {  	v0 =	vld.idx.msk [tilespmem:v0+s2+$0x0], $0xffff  }
0x166: {  	v1 =	vld.idx.msk [tilespmem:v1+s2+$0x0], $0xffff;
	_ =	sdelay $0x3  }
0x167: {  	v2 =	vld [tilespmem:$0x7590]  }
0x168: {  	v3 =	vld [tilespmem:$0x7610];
	v0 =	vand.u32 $0xFFFF0000, v0;
	v1 =	vshll.u32 v1, $0x10  }
0x169: {  	v0 =	vadd.f32 v1, v0;
	_ =	sdelay $0x1  }
0x16a: {  	v0 =	vsub.f32 $0.0e+00, v0;
	_ =	sdelay $0x1  }
0x16b: {  	v0 =	vmul.f32 $1.442695020e+00, v0;
	_ =	sdelay $0x1  }
0x16c: {  	v18 =	vld.idx.msk [tilespmem:v2+s2+$0x0], $0xffff;
	(erf) = vpow2.f32 v0  }
0x16d: {  	v19 =	vld.idx.msk [tilespmem:v3+s2+$0x0], $0xffff;
	_ =	sdelay $0x3  }
0x16e: {  	v20 =	vld [tilespmem:$0x75A0]  }
0x16f: {  	v21 =	vld [tilespmem:$0x7620];
	v1 =	vshll.u32 v19, $0x10;
	v0 =	vand.u32 $0xFFFF0000, v18  }
0x170: {  	v0 =	vadd.f32 v1, v0;
	_ =	sdelay $0x1  }
0x171: {  	v0 =	vsub.f32 $0.0e+00, v0;
	v22 =	vpop (erf)  }
0x172: {  	v1 =	vadd.f32 $1.000000000e+00, v22  }
0x173: {  	v0 =	vmul.f32 $1.442695020e+00, v0  }
0x174: {  	(erf) = vrcp.f32 v1  }
0x175: {  	v23 =	vld.idx.msk [tilespmem:v20+s2+$0x0], $0xffff;
	(erf) = vpow2.f32 v0  }
0x176: {  	v24 =	vld.idx.msk [tilespmem:v21+s2+$0x0], $0xffff;
	_ =	sdelay $0x3  }
0x177: {  	v25 =	vld [tilespmem:$0x75B0]  }
0x178: {  	v26 =	vld [tilespmem:$0x7630];
	v1 =	vshll.u32 v24, $0x10;
	v0 =	vand.u32 $0xFFFF0000, v23  }
0x179: {  	v0 =	vadd.f32 v1, v0  }
0x17a: {  	v27 =	vpop (erf)  }
0x17b: {  	v0 =	vsub.f32 $0.0e+00, v0;
	v4 =	vpop (erf)  }
0x17c: {  	v4 =	vadd.f32 $1.000000000e+00, v4  }
0x17d: {  	v0 =	vmul.f32 $1.442695020e+00, v0  }
0x17e: {  	(erf) = vrcp.f32 v4  }
0x17f: {  	v28 =	vld.idx.msk [tilespmem:v25+s2+$0x0], $0xffff;
	(erf) = vpow2.f32 v0  }
0x180: {  	v29 =	vld.idx.msk [tilespmem:v26+s2+$0x0], $0xffff;
	_ =	sdelay $0x3  }
0x181: {  	v30 =	vld [tilespmem:$0x75C0]  }
0x182: {  	v31 =	vld [tilespmem:$0x7640];
	v2 =	vshll.u32 v29, $0x10;
	v0 =	vand.u32 $0xFFFF0000, v28  }
0x183: {  	v0 =	vadd.f32 v2, v0  }
0x184: {  	v32 =	vpop (erf)  }
0x185: {  	v0 =	vsub.f32 $0.0e+00, v0;
	v5 =	vpop (erf)  }
0x186: {  	v5 =	vadd.f32 $1.000000000e+00, v5  }
0x187: {  	v0 =	vmul.f32 $1.442695020e+00, v0  }
0x188: {  	(erf) = vrcp.f32 v5  }
0x189: {  	v33 =	vld.idx.msk [tilespmem:v30+s2+$0x0], $0xffff;
	(erf) = vpow2.f32 v0  }
0x18a: {  	v34 =	vld.idx.msk [tilespmem:v31+s2+$0x0], $0xffff;
	_ =	sdelay $0x3  }
0x18b: {  	v35 =	vld [tilespmem:$0x75D0]  }
0x18c: {  	v36 =	vld [tilespmem:$0x7650];
	v3 =	vshll.u32 v34, $0x10;
	v0 =	vand.u32 $0xFFFF0000, v33  }
0x18d: {  	v0 =	vadd.f32 v3, v0  }
0x18e: {  	v37 =	vpop (erf)  }
0x18f: {  	v0 =	vsub.f32 $0.0e+00, v0;
	v6 =	vpop (erf)  }
0x190: {  	v6 =	vadd.f32 $1.000000000e+00, v6  }
0x191: {  	v0 =	vmul.f32 $1.442695020e+00, v0  }
0x192: {  	(erf) = vrcp.f32 v6  }
0x193: {  	v38 =	vld.idx.msk [tilespmem:v35+s2+$0x0], $0xffff;
	(erf) = vpow2.f32 v0  }
0x194: {  	v39 =	vld.idx.msk [tilespmem:v36+s2+$0x0], $0xffff;
	_ =	sdelay $0x3  }
0x195: {  	v40 =	vld [tilespmem:$0x75E0]  }
0x196: {  	v41 =	vld [tilespmem:$0x7660];
	v4 =	vshll.u32 v39, $0x10;
	v0 =	vand.u32 $0xFFFF0000, v38  }
0x197: {  	v0 =	vadd.f32 v4, v0  }
0x198: {  	v42 =	vpop (erf)  }
0x199: {  	v0 =	vsub.f32 $0.0e+00, v0;
	v7 =	vpop (erf)  }
0x19a: {  	v7 =	vadd.f32 $1.000000000e+00, v7  }
0x19b: {  	v0 =	vmul.f32 $1.442695020e+00, v0  }
0x19c: {  	(erf) = vrcp.f32 v7  }
0x19d: {  	v43 =	vld.idx.msk [tilespmem:v40+s2+$0x0], $0xffff;
	(erf) = vpow2.f32 v0  }
0x19e: {  	v44 =	vld.idx.msk [tilespmem:v41+s2+$0x0], $0xffff;
	_ =	sdelay $0x3  }
0x19f: {  	v45 =	vld [tilespmem:$0x75F0]  }
0x1a0: {  	v46 =	vld [tilespmem:$0x7670];
	v5 =	vshll.u32 v44, $0x10;
	v0 =	vand.u32 $0xFFFF0000, v43  }
0x1a1: {  	v0 =	vadd.f32 v5, v0  }
0x1a2: {  	v47 =	vpop (erf)  }
0x1a3: {  	v0 =	vsub.f32 $0.0e+00, v0;
	v8 =	vpop (erf)  }
0x1a4: {  	v8 =	vadd.f32 $1.000000000e+00, v8  }
0x1a5: {  	v0 =	vmul.f32 $1.442695020e+00, v0  }
0x1a6: {  	(erf) = vrcp.f32 v8  }
0x1a7: {  	v48 =	vld.idx.msk [tilespmem:v45+s2+$0x0], $0xffff;
	(erf) = vpow2.f32 v0  }
0x1a8: {  	v49 =	vld.idx.msk [tilespmem:v46+s2+$0x0], $0xffff;
	_ =	sdelay $0x4  }
0x1a9: {  	v6 =	vshll.u32 v49, $0x10;
	v0 =	vand.u32 $0xFFFF0000, v48  }
0x1aa: {  	v0 =	vadd.f32 v6, v0  }
0x1ab: {  	v50 =	vpop (erf)  }
0x1ac: {  	v0 =	vsub.f32 $0.0e+00, v0;
	v51 =	vpop (erf)  }
0x1ad: {  	v7 =	vadd.f32 $1.000000000e+00, v51  }
0x1ae: {  	v0 =	vmul.f32 $1.442695020e+00, v0  }
0x1af: {  	(erf) = vrcp.f32 v7  }
0x1b0: {  	(erf) = vpow2.f32 v0;
	_ =	sdelay $0x7  }
0x1b1: {  	v52 =	vpop (erf)  }
0x1b2: {  	v53 =	vpop (erf)  }
0x1b3: {  	v54 =	vld [tilespmem:$0x9D80];
	v7 =	vadd.f32 $1.000000000e+00, v53  }
0x1b4: {  	v9 =	vld [tilespmem:$0x9D90]  }
0x1b5: {  	v10 =	vld [tilespmem:$0x9DA0];
	(erf) = vrcp.f32 v7  }
0x1b6: {  	v55 =	vld [tilespmem:$0x9DB0]  }
0x1b7: {  	v11 =	vld [tilespmem:$0x9DC0]  }
0x1b8: {  	v56 =	vld [tilespmem:$0x9DD0];
	v1 =	vmul.f32 v27, v54  }
0x1b9: {  	v57 =	vld [tilespmem:$0x9DE0];
	v2 =	vmul.f32 v32, v9  }
0x1ba: {  	v59 =	vld [tilespmem:$0x9DF0];
	[tilespmem:$0xC500] =	vst v1;
	v58 =	vmul.f32 v37, v10  }
0x1bb: {  	[tilespmem:$0xC510] =	vst v2;
	v60 =	vmul.f32 v42, v55  }
0x1bc: {  	[tilespmem:$0xC520] =	vst v58;
	v61 =	vmul.f32 v47, v11  }
0x1bd: {  	[tilespmem:$0xC530] =	vst v60;
	v62 =	vmul.f32 v50, v56  }
0x1be: {  	[tilespmem:$0xC540] =	vst v61;
	v0 =	vmul.f32 v52, v57;
	v63 =	vpop (erf)  }
0x1bf: {  	[tilespmem:$0xC550] =	vst v62;
	v1 =	vmul.f32 v63, v59  }
0x1c0: {  	[tilespmem:$0xC560] =	vst v0  }
.Ltmp5:
0x1c1: {  	[tilespmem:$0xC570] =	vst v1;
	(pc) =	sbr.rel .LBB2_7-.Ltmp5, $4  }
0x1c2: {  	[hbm4b:s12+s2] =	stream.linear.scatter [tilespmem:s21], [sflag:$0x2], $0x80, $0x38;
	[tilespmem:$0xC580] =	vst v63  }
0x1c3: {  	_ =	swait.ge [sflag:s22], $0x80  }
0x1c4: {  	[sflag:s22] =	ssyncset.done $0x0  }
0x1c5: {  	[sflag:s22] =	ssyncadd.s32 $0xFFFFFF80  }
.LBB2_8:
0x1c6: {  	_ =	sfence.sel $0x180000  }
0x1c7: {  	[bflag:$0x0] =	sbarrier.arrive $0xFFFF  }
0x1c8: {  	p0 =	sne.s32 s0, $0x0;
	_ =	strace $0x90000047  }
0x1c9: {  	s0 =	sadd.s32 @!p0 $0x100000, s1;
	[bflag:$0x2] =	sbarrier.arrive $0xFFFF  }
0x1ca: {  	[sflag:s0] =	ssyncadd.tile.s32 @!p0 $0x1;
	_ =	shalt  }
.Lfunc_end2:
_tile_overlayer_lowered:
.L_overlay_start_2:
0x1cb: {  	(tag) =	ssettag $0x2  }
0x1cc: {  	s0 =	rddreg [dreg:$0x0];
	s2 =	stileid.u32  }
0x1cd: {  	s1 =	rddreg [dreg:$0x1];
	p0 =	sne.s32 s2, $0x0  }
0x1ce: {  	s3 =	rddreg [dreg:$0x2];
	[bflag:$0x3] =	sbarrier.arrive $0xFFFF;
	s2 =	simm.s32 @!p0 $0x1C03  }
0x1cf: {  	[timem:s3], [sflag:s2] =	dma.local @!p0 [hbm:s0], s1  }
0x1d0: {  	s0 =	simm.s32 @!p0 $0x3  }
0x1d1: {  	_ =	swait.ge @!p0 [sflag:s0], s1  }
0x1d2: {  	s1 =	ssub.s32 @!p0 $0x0, s1;
	[sflag:s0] =	ssyncset.done @!p0 $0x0  }
0x1d3: {  	[sflag:s0] =	ssyncadd.s32 @!p0 s1  }
0x1d4: {  	[bflag:$0x3] =	sbarrier.arrive $0xFFFF  }
0x1d5: {  	_ =	shalt  }

</sc_bundles>
